<compile_context>
chip_gen: v7x
topology: tpu7x:2x2x1
jax: 0.10.2.dev20260603
libtpu: 0.0.44.dev20260713+nightly
codegen_flags: <defaults>
</compile_context>

<pallas_src>
import functools

import jax
import jax.numpy as jnp
from jax import lax
from jax.experimental import pallas as pl
from jax.experimental.pallas import tpu as pltpu
from jax.experimental.pallas import tpu_sc as plsc

B, N, F = 8, 16384, 128
HALF = N // 2
NSUB = 16
ROWS_PER_SUB = N // NSUB
CHUNK = 128
NCHUNK = ROWS_PER_SUB // CHUNK
TRASH = 128
ACC_ROWS = HALF + TRASH
OUT_PER_SUB = HALF // NSUB


def _g_matmul_body(feats_ref, w2_ref, g_ref):
    x = feats_ref[0]
    g_ref[0] = jnp.dot(x, w2_ref[...], preferred_element_type=jnp.float32)


def _g_matmul(feats, w2):
    return pl.pallas_call(
        _g_matmul_body,
        grid=(B,),
        in_specs=[
            pl.BlockSpec((1, HALF, F), lambda b: (b, 0, 0)),
            pl.BlockSpec((F, F), lambda b: (0, 0)),
        ],
        out_specs=pl.BlockSpec((1, HALF, F), lambda b: (b, 0, 0)),
        out_shape=jax.ShapeDtypeStruct((B, HALF, F), jnp.float32),
    )(feats, w2)


def _sc_scatter(g, src_idx, ups_idx):
    mesh = plsc.VectorSubcoreMesh(core_axis_name="c", subcore_axis_name="s")

    @functools.partial(
        pl.kernel,
        out_type=jax.ShapeDtypeStruct((B, N, F), jnp.float32),
        mesh=mesh,
        scratch_types=[
            pltpu.VMEM((NCHUNK, CHUNK), jnp.int32),
            pltpu.VMEM((NCHUNK, CHUNK), jnp.int32),
            pltpu.VMEM((CHUNK, F), jnp.float32),
            pltpu.VMEM((CHUNK, F), jnp.float32),
            pltpu.VMEM_SHARED((ACC_ROWS, F), jnp.float32),
            pltpu.SemaphoreType.DMA,
        ],
    )
    def k(g_hbm, src_hbm, ups_hbm, out_hbm, sidx, uidx, rows, ztile, acc, sem):
        c = lax.axis_index("c")
        s = lax.axis_index("s")

        @pl.loop(0, CHUNK)
        def _zrow(i):
            @pl.loop(0, F, step=16)
            def _zcol(j):
                ztile[i, pl.ds(j, 16)] = jnp.zeros((16,), jnp.float32)

        @pl.loop(0, B)
        def _batch(b):
            @pl.loop(0, OUT_PER_SUB, step=CHUNK)
            def _z(r):
                pltpu.sync_copy(ztile, acc.at[pl.ds(s * OUT_PER_SUB + r, CHUNK)])

            @pl.when(s == NSUB - 1)
            def _ztrash():
                pltpu.sync_copy(ztile, acc.at[pl.ds(HALF, TRASH)])

            plsc.subcore_barrier()

            pltpu.sync_copy(src_hbm.at[b].at[s], sidx)
            pltpu.sync_copy(ups_hbm.at[c].at[b].at[s], uidx)

            @pl.loop(0, NCHUNK)
            def _c(j):
                pltpu.async_copy(g_hbm.at[b].at[sidx.at[j]], rows, sem).wait()
                pltpu.sync_copy(rows, acc.at[uidx.at[j]], add=True)

            plsc.subcore_barrier()

            pltpu.sync_copy(
                acc.at[pl.ds(s * OUT_PER_SUB, OUT_PER_SUB)],
                out_hbm.at[b].at[pl.ds(c * HALF + s * OUT_PER_SUB, OUT_PER_SUB)],
            )
            plsc.subcore_barrier()

    return k(g, src_idx, ups_idx)


ROW_BLK = 1024


def _final_body(res_ref, acc_ref, w1_ref, bias_ref, out_ref):
    r = res_ref[0]
    y = jnp.dot(r, w1_ref[...], preferred_element_type=jnp.float32)
    out_ref[0] = jnp.maximum(y + acc_ref[0] + bias_ref[...], 0.0)


def _final(res, acc, w1, bias):
    return pl.pallas_call(
        _final_body,
        grid=(B, N // ROW_BLK),
        in_specs=[
            pl.BlockSpec((1, ROW_BLK, F), lambda b, i: (b, i, 0)),
            pl.BlockSpec((1, ROW_BLK, F), lambda b, i: (b, i, 0)),
            pl.BlockSpec((F, F), lambda b, i: (0, 0)),
            pl.BlockSpec((1, F), lambda b, i: (0, 0)),
        ],
        out_specs=pl.BlockSpec((1, ROW_BLK, F), lambda b, i: (b, i, 0)),
        out_shape=jax.ShapeDtypeStruct((B, N, F), jnp.float32),
    )(res, acc, w1, bias)


def kernel(feats, interpolate_idx, upsample_idx, res, W, b):
    w1 = W[:F, :]
    w2 = W[F:, :]
    iota = jnp.broadcast_to(jnp.arange(HALF, dtype=jnp.int32), (B, HALF))
    src_idx = jnp.concatenate([iota, interpolate_idx.astype(jnp.int32)], axis=1)
    src_r = src_idx.reshape(B, NSUB, NCHUNK, CHUNK)

    ups = upsample_idx.astype(jnp.int32)
    trash = HALF + (jnp.arange(N, dtype=jnp.int32) % TRASH)[None, :]
    ups_lo = jnp.where(ups < HALF, ups, trash)
    ups_hi = jnp.where(ups >= HALF, ups - HALF, trash)
    ups_r = jnp.stack([ups_lo, ups_hi]).reshape(2, B, NSUB, NCHUNK, CHUNK)

    g = _g_matmul(feats, w2)
    acc = _sc_scatter(g, src_r, ups_r)
    return _final(res, acc, w1, b.reshape(1, F))

# --- scband reference (transcript-rebuilt; emitter-appended) ---
"""Pipeline reference for scband-up-sample-33612414058919 (READ-ONLY COPY).

The authoritative reference and input builder live on the scoring server;
editing this copy changes nothing except your own understanding.
"""

import jax, jax.numpy as jnp
import numpy as np


def setup_inputs(seed: int = 0) -> dict:
    key = jax.random.key(seed)
    k1, k2, k3, k4, k5, k6 = jax.random.split(key, 6)
    B, N, F = 8, 16384, 128
    feats = jax.random.normal(k1, (B, N // 2, F), dtype=jnp.float32)
    interpolate_idx = jax.random.randint(k2, (B, N // 2), 0, N // 2, dtype=jnp.int32)
    upsample_idx = jax.random.randint(k3, (B, N), 0, N, dtype=jnp.int32)
    res = jax.random.normal(k4, (B, N, F), dtype=jnp.float32)
    # Conv1D(units=128, kernel_size=1) over input channels input_units=256 (res_cat of 2*F)
    input_units, units = 256, 128
    W = jax.random.normal(k5, (input_units, units), dtype=jnp.float32) * (1.0 / np.sqrt(input_units))
    b = jnp.zeros((units,), dtype=jnp.float32)
    return {"feats": feats, "interpolate_idx": interpolate_idx, "upsample_idx": upsample_idx, "res": res, "W": W, "b": b}


def reference(feats, interpolate_idx, upsample_idx, res, W, b):
    # tf.gather(feats, interpolate_idx, axis=1, batch_dims=1)
    copy_feats = jnp.take_along_axis(feats, interpolate_idx[..., None], axis=1)
    interpolated_feats = jnp.concatenate([feats, copy_feats], axis=1)  # (B, N, F)
    B, N, F = interpolated_feats.shape
    # tf.scatter_nd with stacked (batch, upsample_idx) indices; duplicates accumulate
    batch_idx = jnp.broadcast_to(jnp.arange(B)[:, None], (B, N))
    scattered = jnp.zeros((B, N, F), dtype=interpolated_feats.dtype)
    scattered = scattered.at[batch_idx, upsample_idx].add(interpolated_feats)
    # residual concat along channels, then 1x1 Conv1D (pointwise MLP) + relu
    cat = jnp.concatenate([res, scattered], axis=-1)  # (B, N, 2F)
    y = jax.nn.relu(jnp.einsum('bnc,cd->bnd', cat, W) + b)
    return y

if __name__ == "__main__":
    import jax
    _d = setup_inputs()
    print(jax.jit(kernel)(*tuple(_d.values())))

</pallas_src>

<mosaic_0001>
#map = affine_map<(d0, d1) -> (0, 0, 0)>
#map1 = affine_map<(d0, d1) -> (0, 0, 0, 0)>
#map2 = affine_map<(d0, d1) -> (0, 0, 0, 0, 0)>
module attributes {stable_mosaic.version = 14 : i64} {
  func.func @k(%arg0: i32, %arg1: i32, %arg2: memref<8x8192x128xf32, #tpu.memory_space<hbm>>, %arg3: memref<8x16x8x128xi32, #tpu.memory_space<hbm>>, %arg4: memref<2x8x16x8x128xi32, #tpu.memory_space<hbm>>, %arg5: memref<8x16384x128xf32, #tpu.memory_space<hbm>>, %arg6: memref<8x128xi32, #tpu.memory_space<vmem>>, %arg7: memref<8x128xi32, #tpu.memory_space<vmem>>, %arg8: memref<128x128xf32, #tpu.memory_space<vmem>>, %arg9: memref<128x128xf32, #tpu.memory_space<vmem>>, %arg10: memref<8320x128xf32, #tpu.memory_space<vmem_shared>>, %arg11: memref<!tpu.dma_semaphore, #tpu.memory_space<semaphore_mem>>) attributes {dimension_semantics = [#tpu.dimension_semantics<core_parallel>, #tpu.dimension_semantics<subcore_parallel>], iteration_bounds = array<i64: 2, 16>, scalar_prefetch = 0 : i64, scratch_operands = 6 : i64, tpu.core_type = #tpu.core_type<sc_vector_subcore>, window_params = [{transform_indices = #map}, {transform_indices = #map1}, {transform_indices = #map2}, {transform_indices = #map}]} {
    %scan3A = arith.constant 0 : i32
    %scan3A_0 = arith.constant 128 : i32
    %scan3A_1 = arith.addi %scan3A, %scan3A_0 : i32
    %scan3A_2 = arith.constant 1 : i32
    scf.for %scan3A_9 = %scan3A to %scan3A_1 step %scan3A_2  : i32 {
      %mul3A = arith.constant 1 : i32
      %mul3A_10 = arith.muli %scan3A_9, %mul3A : i32
      %add3A = arith.constant 0 : i32
      %add3A_11 = arith.addi %add3A, %mul3A_10 : i32
      %scan3A_12 = arith.constant 0 : i32
      %scan3A_13 = arith.constant 8 : i32
      %scan3A_14 = arith.addi %scan3A_12, %scan3A_13 : i32
      %scan3A_15 = arith.constant 1 : i32
      scf.for %scan3A_17 = %scan3A_12 to %scan3A_14 step %scan3A_15  : i32 {
        %mul3A_18 = arith.constant 16 : i32
        %mul3A_19 = arith.muli %scan3A_17, %mul3A_18 : i32
        %add3A_20 = arith.constant 0 : i32
        %add3A_21 = arith.addi %add3A_20, %mul3A_19 : i32
        %broadcast_in_dim3A = arith.constant 0.000000e+00 : f32
        %broadcast_in_dim3A_22 = vector.broadcast %broadcast_in_dim3A : f32 to vector<16xf32>
        %swap3A = arith.index_cast %add3A_11 : i32 to index
        %swap3A_23 = arith.index_cast %add3A_21 : i32 to index
        %swap3A_24 = tpu.vector_load %arg9[%swap3A, %swap3A_23] {strides = array<i32>} : memref<128x128xf32, #tpu.memory_space<vmem>>, vector<1x16xf32>,
        %swap3A_25 = vector.shape_cast %swap3A_24 : vector<1x16xf32> to vector<16xf32>
        %swap3A_26 = vector.shape_cast %broadcast_in_dim3A_22 : vector<16xf32> to vector<1x16xf32>
        tpu.vector_store %arg9[%swap3A, %swap3A_23], %swap3A_26 {strides = array<i32>} : memref<128x128xf32, #tpu.memory_space<vmem>>, vector<1x16xf32>,
      }
      %scan3A_16 = arith.constant 8 : i32
    }
    %scan3A_3 = arith.constant 128 : i32
    %scan3A_4 = arith.constant 0 : i32
    %scan3A_5 = arith.constant 8 : i32
    %scan3A_6 = arith.addi %scan3A_4, %scan3A_5 : i32
    %scan3A_7 = arith.constant 1 : i32
    scf.for %scan3A_9 = %scan3A_4 to %scan3A_6 step %scan3A_7  : i32 {
      %mul3A = arith.constant 1 : i32
      %mul3A_10 = arith.muli %scan3A_9, %mul3A : i32
      %add3A = arith.constant 0 : i32
      %add3A_11 = arith.addi %add3A, %mul3A_10 : i32
      %scan3A_12 = arith.constant 0 : i32
      %scan3A_13 = arith.constant 4 : i32
      %scan3A_14 = arith.addi %scan3A_12, %scan3A_13 : i32
      %scan3A_15 = arith.constant 1 : i32
      scf.for %scan3A_33 = %scan3A_12 to %scan3A_14 step %scan3A_15  : i32 {
        %mul3A_34 = arith.constant 128 : i32
        %mul3A_35 = arith.muli %scan3A_33, %mul3A_34 : i32
        %add3A_36 = arith.constant 0 : i32
        %add3A_37 = arith.addi %add3A_36, %mul3A_35 : i32
        %mul3A_38 = arith.constant 512 : i32
        %mul3A_39 = arith.muli %arg1, %mul3A_38 : i32
        %add3A_40 = arith.addi %mul3A_39, %add3A_37 : i32
        "tpu.region"() ({
          %run_scoped3A = tpu.sem_alloc : memref<!tpu.dma_semaphore, #tpu.memory_space<semaphore_mem>>
          %dma_start3A = arith.constant 0 : i32
          %dma_start3A_41 = tpu.memref_slice %arg10[%add3A_40, %dma_start3A] : memref<8320x128xf32, #tpu.memory_space<vmem_shared>> -> memref<128x128xf32, #tpu.memory_space<vmem_shared>>
          %dma_start3A_42 = arith.constant 0 : i32
          %dma_start3A_43 = tpu.memref_slice %arg10[%add3A_40, %dma_start3A_42] : memref<8320x128xf32, #tpu.memory_space<vmem_shared>> -> memref<128x128xf32, #tpu.memory_space<vmem_shared>>
          tpu.enqueue_dma source(%arg9 : memref<128x128xf32, #tpu.memory_space<vmem>>) target(%dma_start3A_43 : memref<128x128xf32, #tpu.memory_space<vmem_shared>>) target_semaphore(%run_scoped3A : memref<!tpu.dma_semaphore, #tpu.memory_space<semaphore_mem>>)
          %dma_wait3A = arith.constant 0 : i32
          %dma_wait3A_44 = tpu.memref_slice %arg10[%add3A_40, %dma_wait3A] : memref<8320x128xf32, #tpu.memory_space<vmem_shared>> -> memref<128x128xf32, #tpu.memory_space<vmem_shared>>
          %dma_wait3A_45 = arith.constant 0 : i32
          %dma_wait3A_46 = tpu.memref_slice %arg10[%add3A_40, %dma_wait3A_45] : memref<8320x128xf32, #tpu.memory_space<vmem_shared>> -> memref<128x128xf32, #tpu.memory_space<vmem_shared>>
          tpu.wait_dma2 semaphore(%run_scoped3A : memref<!tpu.dma_semaphore, #tpu.memory_space<semaphore_mem>>) src(%arg9 : memref<128x128xf32, #tpu.memory_space<vmem>>) dst(%dma_wait3A_46 : memref<128x128xf32, #tpu.memory_space<vmem_shared>>)
          tpu.yield
        }) : () -> ()
      }
      %scan3A_16 = arith.constant 4 : i32
      %eq3A = arith.constant 15 : i32
      %eq3A_17 = arith.cmpi eq, %arg1, %eq3A : i32
      %convert_element_type3A = arith.extui %eq3A_17 : i1 to i32
      %cond3A = arith.constant 0 : i32
      %cond3A_18 = arith.cmpi ne, %convert_element_type3A, %cond3A : i32
      scf.if %cond3A_18 {
        "tpu.region"() ({
          %run_scoped3A = tpu.sem_alloc : memref<!tpu.dma_semaphore, #tpu.memory_space<semaphore_mem>>
          %dma_start3A = arith.constant 8192 : i32
          %dma_start3A_33 = arith.constant 0 : i32
          %dma_start3A_34 = tpu.memref_slice %arg10[%dma_start3A, %dma_start3A_33] : memref<8320x128xf32, #tpu.memory_space<vmem_shared>> -> memref<128x128xf32, #tpu.memory_space<vmem_shared>>
          %dma_start3A_35 = arith.constant 8192 : i32
          %dma_start3A_36 = arith.constant 0 : i32
          %dma_start3A_37 = tpu.memref_slice %arg10[%dma_start3A_35, %dma_start3A_36] : memref<8320x128xf32, #tpu.memory_space<vmem_shared>> -> memref<128x128xf32, #tpu.memory_space<vmem_shared>>
          tpu.enqueue_dma source(%arg9 : memref<128x128xf32, #tpu.memory_space<vmem>>) target(%dma_start3A_37 : memref<128x128xf32, #tpu.memory_space<vmem_shared>>) target_semaphore(%run_scoped3A : memref<!tpu.dma_semaphore, #tpu.memory_space<semaphore_mem>>)
          %dma_wait3A = arith.constant 8192 : i32
          %dma_wait3A_38 = arith.constant 0 : i32
          %dma_wait3A_39 = tpu.memref_slice %arg10[%dma_wait3A, %dma_wait3A_38] : memref<8320x128xf32, #tpu.memory_space<vmem_shared>> -> memref<128x128xf32, #tpu.memory_space<vmem_shared>>
          %dma_wait3A_40 = arith.constant 8192 : i32
          %dma_wait3A_41 = arith.constant 0 : i32
          %dma_wait3A_42 = tpu.memref_slice %arg10[%dma_wait3A_40, %dma_wait3A_41] : memref<8320x128xf32, #tpu.memory_space<vmem_shared>> -> memref<128x128xf32, #tpu.memory_space<vmem_shared>>
          tpu.wait_dma2 semaphore(%run_scoped3A : memref<!tpu.dma_semaphore, #tpu.memory_space<semaphore_mem>>) src(%arg9 : memref<128x128xf32, #tpu.memory_space<vmem>>) dst(%dma_wait3A_42 : memref<128x128xf32, #tpu.memory_space<vmem_shared>>)
          tpu.yield
        }) : () -> ()
      } else {
      }
      %barrier3A = arith.constant 0 : index
      tpu.barrier barrier_id(%barrier3A)
      "tpu.region"() ({
        %run_scoped3A = tpu.sem_alloc : memref<!tpu.dma_semaphore, #tpu.memory_space<semaphore_mem>>
        %dma_start3A = arith.constant 0 : i32
        %dma_start3A_33 = arith.constant 0 : i32
        %dma_start3A_34 = arith.constant 0 : i32
        %dma_start3A_35 = tpu.memref_slice %arg3[%add3A_11, %dma_start3A, %dma_start3A_33, %dma_start3A_34] : memref<8x16x8x128xi32, #tpu.memory_space<hbm>> -> memref<1x16x8x128xi32, #tpu.memory_space<hbm>>
        %dma_start3A_36 = tpu.memref_squeeze %dma_start3A_35 : memref<1x16x8x128xi32, #tpu.memory_space<hbm>> -> memref<16x8x128xi32, #tpu.memory_space<hbm>>
        %dma_start3A_37 = arith.constant 0 : i32
        %dma_start3A_38 = arith.constant 0 : i32
        %dma_start3A_39 = tpu.memref_slice %dma_start3A_36[%arg1, %dma_start3A_37, %dma_start3A_38] : memref<16x8x128xi32, #tpu.memory_space<hbm>> -> memref<1x8x128xi32, #tpu.memory_space<hbm>>
        %dma_start3A_40 = tpu.memref_squeeze %dma_start3A_39 : memref<1x8x128xi32, #tpu.memory_space<hbm>> -> memref<8x128xi32, #tpu.memory_space<hbm>>
        %dma_start3A_41 = arith.constant 0 : i32
        %dma_start3A_42 = arith.constant 0 : i32
        %dma_start3A_43 = arith.constant 0 : i32
        %dma_start3A_44 = tpu.memref_slice %arg3[%add3A_11, %dma_start3A_41, %dma_start3A_42, %dma_start3A_43] : memref<8x16x8x128xi32, #tpu.memory_space<hbm>> -> memref<1x16x8x128xi32, #tpu.memory_space<hbm>>
        %dma_start3A_45 = tpu.memref_squeeze %dma_start3A_44 : memref<1x16x8x128xi32, #tpu.memory_space<hbm>> -> memref<16x8x128xi32, #tpu.memory_space<hbm>>
        %dma_start3A_46 = arith.constant 0 : i32
        %dma_start3A_47 = arith.constant 0 : i32
        %dma_start3A_48 = tpu.memref_slice %dma_start3A_45[%arg1, %dma_start3A_46, %dma_start3A_47] : memref<16x8x128xi32, #tpu.memory_space<hbm>> -> memref<1x8x128xi32, #tpu.memory_space<hbm>>
        %dma_start3A_49 = tpu.memref_squeeze %dma_start3A_48 : memref<1x8x128xi32, #tpu.memory_space<hbm>> -> memref<8x128xi32, #tpu.memory_space<hbm>>
        tpu.enqueue_dma source(%dma_start3A_49 : memref<8x128xi32, #tpu.memory_space<hbm>>) target(%arg6 : memref<8x128xi32, #tpu.memory_space<vmem>>) target_semaphore(%run_scoped3A : memref<!tpu.dma_semaphore, #tpu.memory_space<semaphore_mem>>)
        %dma_wait3A = arith.constant 0 : i32
        %dma_wait3A_50 = arith.constant 0 : i32
        %dma_wait3A_51 = arith.constant 0 : i32
        %dma_wait3A_52 = tpu.memref_slice %arg3[%add3A_11, %dma_wait3A, %dma_wait3A_50, %dma_wait3A_51] : memref<8x16x8x128xi32, #tpu.memory_space<hbm>> -> memref<1x16x8x128xi32, #tpu.memory_space<hbm>>
        %dma_wait3A_53 = tpu.memref_squeeze %dma_wait3A_52 : memref<1x16x8x128xi32, #tpu.memory_space<hbm>> -> memref<16x8x128xi32, #tpu.memory_space<hbm>>
        %dma_wait3A_54 = arith.constant 0 : i32
        %dma_wait3A_55 = arith.constant 0 : i32
        %dma_wait3A_56 = tpu.memref_slice %dma_wait3A_53[%arg1, %dma_wait3A_54, %dma_wait3A_55] : memref<16x8x128xi32, #tpu.memory_space<hbm>> -> memref<1x8x128xi32, #tpu.memory_space<hbm>>
        %dma_wait3A_57 = tpu.memref_squeeze %dma_wait3A_56 : memref<1x8x128xi32, #tpu.memory_space<hbm>> -> memref<8x128xi32, #tpu.memory_space<hbm>>
        %dma_wait3A_58 = arith.constant 0 : i32
        %dma_wait3A_59 = arith.constant 0 : i32
        %dma_wait3A_60 = arith.constant 0 : i32
        %dma_wait3A_61 = tpu.memref_slice %arg3[%add3A_11, %dma_wait3A_58, %dma_wait3A_59, %dma_wait3A_60] : memref<8x16x8x128xi32, #tpu.memory_space<hbm>> -> memref<1x16x8x128xi32, #tpu.memory_space<hbm>>
        %dma_wait3A_62 = tpu.memref_squeeze %dma_wait3A_61 : memref<1x16x8x128xi32, #tpu.memory_space<hbm>> -> memref<16x8x128xi32, #tpu.memory_space<hbm>>
        %dma_wait3A_63 = arith.constant 0 : i32
        %dma_wait3A_64 = arith.constant 0 : i32
        %dma_wait3A_65 = tpu.memref_slice %dma_wait3A_62[%arg1, %dma_wait3A_63, %dma_wait3A_64] : memref<16x8x128xi32, #tpu.memory_space<hbm>> -> memref<1x8x128xi32, #tpu.memory_space<hbm>>
        %dma_wait3A_66 = tpu.memref_squeeze %dma_wait3A_65 : memref<1x8x128xi32, #tpu.memory_space<hbm>> -> memref<8x128xi32, #tpu.memory_space<hbm>>
        tpu.wait_dma2 semaphore(%run_scoped3A : memref<!tpu.dma_semaphore, #tpu.memory_space<semaphore_mem>>) src(%dma_wait3A_66 : memref<8x128xi32, #tpu.memory_space<hbm>>) dst(%arg6 : memref<8x128xi32, #tpu.memory_space<vmem>>)
        tpu.yield
      }) : () -> ()
      "tpu.region"() ({
        %run_scoped3A = tpu.sem_alloc : memref<!tpu.dma_semaphore, #tpu.memory_space<semaphore_mem>>
        %dma_start3A = arith.constant 0 : i32
        %dma_start3A_33 = arith.constant 0 : i32
        %dma_start3A_34 = arith.constant 0 : i32
        %dma_start3A_35 = arith.constant 0 : i32
        %dma_start3A_36 = tpu.memref_slice %arg4[%arg0, %dma_start3A, %dma_start3A_33, %dma_start3A_34, %dma_start3A_35] : memref<2x8x16x8x128xi32, #tpu.memory_space<hbm>> -> memref<1x8x16x8x128xi32, #tpu.memory_space<hbm>>
        %dma_start3A_37 = tpu.memref_squeeze %dma_start3A_36 : memref<1x8x16x8x128xi32, #tpu.memory_space<hbm>> -> memref<8x16x8x128xi32, #tpu.memory_space<hbm>>
        %dma_start3A_38 = arith.constant 0 : i32
        %dma_start3A_39 = arith.constant 0 : i32
        %dma_start3A_40 = arith.constant 0 : i32
        %dma_start3A_41 = tpu.memref_slice %dma_start3A_37[%add3A_11, %dma_start3A_38, %dma_start3A_39, %dma_start3A_40] : memref<8x16x8x128xi32, #tpu.memory_space<hbm>> -> memref<1x16x8x128xi32, #tpu.memory_space<hbm>>
        %dma_start3A_42 = tpu.memref_squeeze %dma_start3A_41 : memref<1x16x8x128xi32, #tpu.memory_space<hbm>> -> memref<16x8x128xi32, #tpu.memory_space<hbm>>
        %dma_start3A_43 = arith.constant 0 : i32
        %dma_start3A_44 = arith.constant 0 : i32
        %dma_start3A_45 = tpu.memref_slice %dma_start3A_42[%arg1, %dma_start3A_43, %dma_start3A_44] : memref<16x8x128xi32, #tpu.memory_space<hbm>> -> memref<1x8x128xi32, #tpu.memory_space<hbm>>
        %dma_start3A_46 = tpu.memref_squeeze %dma_start3A_45 : memref<1x8x128xi32, #tpu.memory_space<hbm>> -> memref<8x128xi32, #tpu.memory_space<hbm>>
        %dma_start3A_47 = arith.constant 0 : i32
        %dma_start3A_48 = arith.constant 0 : i32
        %dma_start3A_49 = arith.constant 0 : i32
        %dma_start3A_50 = arith.constant 0 : i32
        %dma_start3A_51 = tpu.memref_slice %arg4[%arg0, %dma_start3A_47, %dma_start3A_48, %dma_start3A_49, %dma_start3A_50] : memref<2x8x16x8x128xi32, #tpu.memory_space<hbm>> -> memref<1x8x16x8x128xi32, #tpu.memory_space<hbm>>
        %dma_start3A_52 = tpu.memref_squeeze %dma_start3A_51 : memref<1x8x16x8x128xi32, #tpu.memory_space<hbm>> -> memref<8x16x8x128xi32, #tpu.memory_space<hbm>>
        %dma_start3A_53 = arith.constant 0 : i32
        %dma_start3A_54 = arith.constant 0 : i32
        %dma_start3A_55 = arith.constant 0 : i32
        %dma_start3A_56 = tpu.memref_slice %dma_start3A_52[%add3A_11, %dma_start3A_53, %dma_start3A_54, %dma_start3A_55] : memref<8x16x8x128xi32, #tpu.memory_space<hbm>> -> memref<1x16x8x128xi32, #tpu.memory_space<hbm>>
        %dma_start3A_57 = tpu.memref_squeeze %dma_start3A_56 : memref<1x16x8x128xi32, #tpu.memory_space<hbm>> -> memref<16x8x128xi32, #tpu.memory_space<hbm>>
        %dma_start3A_58 = arith.constant 0 : i32
        %dma_start3A_59 = arith.constant 0 : i32
        %dma_start3A_60 = tpu.memref_slice %dma_start3A_57[%arg1, %dma_start3A_58, %dma_start3A_59] : memref<16x8x128xi32, #tpu.memory_space<hbm>> -> memref<1x8x128xi32, #tpu.memory_space<hbm>>
        %dma_start3A_61 = tpu.memref_squeeze %dma_start3A_60 : memref<1x8x128xi32, #tpu.memory_space<hbm>> -> memref<8x128xi32, #tpu.memory_space<hbm>>
        tpu.enqueue_dma source(%dma_start3A_61 : memref<8x128xi32, #tpu.memory_space<hbm>>) target(%arg7 : memref<8x128xi32, #tpu.memory_space<vmem>>) target_semaphore(%run_scoped3A : memref<!tpu.dma_semaphore, #tpu.memory_space<semaphore_mem>>)
        %dma_wait3A = arith.constant 0 : i32
        %dma_wait3A_62 = arith.constant 0 : i32
        %dma_wait3A_63 = arith.constant 0 : i32
        %dma_wait3A_64 = arith.constant 0 : i32
        %dma_wait3A_65 = tpu.memref_slice %arg4[%arg0, %dma_wait3A, %dma_wait3A_62, %dma_wait3A_63, %dma_wait3A_64] : memref<2x8x16x8x128xi32, #tpu.memory_space<hbm>> -> memref<1x8x16x8x128xi32, #tpu.memory_space<hbm>>
        %dma_wait3A_66 = tpu.memref_squeeze %dma_wait3A_65 : memref<1x8x16x8x128xi32, #tpu.memory_space<hbm>> -> memref<8x16x8x128xi32, #tpu.memory_space<hbm>>
        %dma_wait3A_67 = arith.constant 0 : i32
        %dma_wait3A_68 = arith.constant 0 : i32
        %dma_wait3A_69 = arith.constant 0 : i32
        %dma_wait3A_70 = tpu.memref_slice %dma_wait3A_66[%add3A_11, %dma_wait3A_67, %dma_wait3A_68, %dma_wait3A_69] : memref<8x16x8x128xi32, #tpu.memory_space<hbm>> -> memref<1x16x8x128xi32, #tpu.memory_space<hbm>>
        %dma_wait3A_71 = tpu.memref_squeeze %dma_wait3A_70 : memref<1x16x8x128xi32, #tpu.memory_space<hbm>> -> memref<16x8x128xi32, #tpu.memory_space<hbm>>
        %dma_wait3A_72 = arith.constant 0 : i32
        %dma_wait3A_73 = arith.constant 0 : i32
        %dma_wait3A_74 = tpu.memref_slice %dma_wait3A_71[%arg1, %dma_wait3A_72, %dma_wait3A_73] : memref<16x8x128xi32, #tpu.memory_space<hbm>> -> memref<1x8x128xi32, #tpu.memory_space<hbm>>
        %dma_wait3A_75 = tpu.memref_squeeze %dma_wait3A_74 : memref<1x8x128xi32, #tpu.memory_space<hbm>> -> memref<8x128xi32, #tpu.memory_space<hbm>>
        %dma_wait3A_76 = arith.constant 0 : i32
        %dma_wait3A_77 = arith.constant 0 : i32
        %dma_wait3A_78 = arith.constant 0 : i32
        %dma_wait3A_79 = arith.constant 0 : i32
        %dma_wait3A_80 = tpu.memref_slice %arg4[%arg0, %dma_wait3A_76, %dma_wait3A_77, %dma_wait3A_78, %dma_wait3A_79] : memref<2x8x16x8x128xi32, #tpu.memory_space<hbm>> -> memref<1x8x16x8x128xi32, #tpu.memory_space<hbm>>
        %dma_wait3A_81 = tpu.memref_squeeze %dma_wait3A_80 : memref<1x8x16x8x128xi32, #tpu.memory_space<hbm>> -> memref<8x16x8x128xi32, #tpu.memory_space<hbm>>
        %dma_wait3A_82 = arith.constant 0 : i32
        %dma_wait3A_83 = arith.constant 0 : i32
        %dma_wait3A_84 = arith.constant 0 : i32
        %dma_wait3A_85 = tpu.memref_slice %dma_wait3A_81[%add3A_11, %dma_wait3A_82, %dma_wait3A_83, %dma_wait3A_84] : memref<8x16x8x128xi32, #tpu.memory_space<hbm>> -> memref<1x16x8x128xi32, #tpu.memory_space<hbm>>
        %dma_wait3A_86 = tpu.memref_squeeze %dma_wait3A_85 : memref<1x16x8x128xi32, #tpu.memory_space<hbm>> -> memref<16x8x128xi32, #tpu.memory_space<hbm>>
        %dma_wait3A_87 = arith.constant 0 : i32
        %dma_wait3A_88 = arith.constant 0 : i32
        %dma_wait3A_89 = tpu.memref_slice %dma_wait3A_86[%arg1, %dma_wait3A_87, %dma_wait3A_88] : memref<16x8x128xi32, #tpu.memory_space<hbm>> -> memref<1x8x128xi32, #tpu.memory_space<hbm>>
        %dma_wait3A_90 = tpu.memref_squeeze %dma_wait3A_89 : memref<1x8x128xi32, #tpu.memory_space<hbm>> -> memref<8x128xi32, #tpu.memory_space<hbm>>
        tpu.wait_dma2 semaphore(%run_scoped3A : memref<!tpu.dma_semaphore, #tpu.memory_space<semaphore_mem>>) src(%dma_wait3A_90 : memref<8x128xi32, #tpu.memory_space<hbm>>) dst(%arg7 : memref<8x128xi32, #tpu.memory_space<vmem>>)
        tpu.yield
      }) : () -> ()
      %scan3A_19 = arith.constant 0 : i32
      %scan3A_20 = arith.constant 8 : i32
      %scan3A_21 = arith.addi %scan3A_19, %scan3A_20 : i32
      %scan3A_22 = arith.constant 1 : i32
      scf.for %scan3A_33 = %scan3A_19 to %scan3A_21 step %scan3A_22  : i32 {
        %mul3A_34 = arith.constant 1 : i32
        %mul3A_35 = arith.muli %scan3A_33, %mul3A_34 : i32
        %add3A_36 = arith.constant 0 : i32
        %add3A_37 = arith.addi %add3A_36, %mul3A_35 : i32
        %dma_start3A = arith.constant 0 : i32
        %dma_start3A_38 = tpu.memref_slice %arg6[%add3A_37, %dma_start3A] : memref<8x128xi32, #tpu.memory_space<vmem>> -> memref<1x128xi32, #tpu.memory_space<vmem>>
        %dma_start3A_39 = tpu.memref_squeeze %dma_start3A_38 : memref<1x128xi32, #tpu.memory_space<vmem>> -> memref<128xi32, #tpu.memory_space<vmem>>
        %dma_start3A_40 = arith.constant 0 : i32
        %dma_start3A_41 = arith.constant 0 : i32
        %dma_start3A_42 = tpu.memref_slice %arg2[%add3A_11, %dma_start3A_40, %dma_start3A_41] : memref<8x8192x128xf32, #tpu.memory_space<hbm>> -> memref<1x8192x128xf32, #tpu.memory_space<hbm>>
        %dma_start3A_43 = tpu.memref_squeeze %dma_start3A_42 : memref<1x8192x128xf32, #tpu.memory_space<hbm>> -> memref<8192x128xf32, #tpu.memory_space<hbm>>
        %dma_start3A_44 = arith.constant 0 : i32
        %dma_start3A_45 = arith.constant 0 : i32
        %dma_start3A_46 = tpu.memref_slice %dma_start3A_43[%dma_start3A_44, %dma_start3A_45] : memref<8192x128xf32, #tpu.memory_space<hbm>> -> memref<8192x128xf32, #tpu.memory_space<hbm>>
        tpu.enqueue_indirect_dma source(%dma_start3A_46 : memref<8192x128xf32, #tpu.memory_space<hbm>>) target(%arg8 : memref<128x128xf32, #tpu.memory_space<vmem>>) offsets(%dma_start3A_39 : memref<128xi32, #tpu.memory_space<vmem>>) semaphore(%arg11 : memref<!tpu.dma_semaphore, #tpu.memory_space<semaphore_mem>>)
        %dma_wait3A = arith.constant 0 : i32
        %dma_wait3A_47 = tpu.memref_slice %arg6[%add3A_37, %dma_wait3A] : memref<8x128xi32, #tpu.memory_space<vmem>> -> memref<1x128xi32, #tpu.memory_space<vmem>>
        %dma_wait3A_48 = tpu.memref_squeeze %dma_wait3A_47 : memref<1x128xi32, #tpu.memory_space<vmem>> -> memref<128xi32, #tpu.memory_space<vmem>>
        %dma_wait3A_49 = arith.constant 0 : i32
        %dma_wait3A_50 = arith.constant 0 : i32
        %dma_wait3A_51 = tpu.memref_slice %arg2[%add3A_11, %dma_wait3A_49, %dma_wait3A_50] : memref<8x8192x128xf32, #tpu.memory_space<hbm>> -> memref<1x8192x128xf32, #tpu.memory_space<hbm>>
        %dma_wait3A_52 = tpu.memref_squeeze %dma_wait3A_51 : memref<1x8192x128xf32, #tpu.memory_space<hbm>> -> memref<8192x128xf32, #tpu.memory_space<hbm>>
        %dma_wait3A_53 = arith.constant 0 : i32
        %dma_wait3A_54 = arith.constant 0 : i32
        %dma_wait3A_55 = tpu.memref_slice %dma_wait3A_52[%dma_wait3A_53, %dma_wait3A_54] : memref<8192x128xf32, #tpu.memory_space<hbm>> -> memref<8192x128xf32, #tpu.memory_space<hbm>>
        tpu.wait_indirect_dma semaphore(%arg11 : memref<!tpu.dma_semaphore, #tpu.memory_space<semaphore_mem>>) src(%dma_wait3A_55 : memref<8192x128xf32, #tpu.memory_space<hbm>>) dst(%arg8 : memref<128x128xf32, #tpu.memory_space<vmem>>)
        "tpu.region"() ({
          %run_scoped3A = tpu.sem_alloc : memref<!tpu.dma_semaphore, #tpu.memory_space<semaphore_mem>>
          %dma_start3A_56 = arith.constant 0 : i32
          %dma_start3A_57 = tpu.memref_slice %arg7[%add3A_37, %dma_start3A_56] : memref<8x128xi32, #tpu.memory_space<vmem>> -> memref<1x128xi32, #tpu.memory_space<vmem>>
          %dma_start3A_58 = tpu.memref_squeeze %dma_start3A_57 : memref<1x128xi32, #tpu.memory_space<vmem>> -> memref<128xi32, #tpu.memory_space<vmem>>
          %dma_start3A_59 = arith.constant 0 : i32
          %dma_start3A_60 = arith.constant 0 : i32
          %dma_start3A_61 = tpu.memref_slice %arg10[%dma_start3A_59, %dma_start3A_60] : memref<8320x128xf32, #tpu.memory_space<vmem_shared>> -> memref<8320x128xf32, #tpu.memory_space<vmem_shared>>
          tpu.enqueue_indirect_dma source(%arg8 : memref<128x128xf32, #tpu.memory_space<vmem>>) target(%dma_start3A_61 : memref<8320x128xf32, #tpu.memory_space<vmem_shared>>) offsets(%dma_start3A_58 : memref<128xi32, #tpu.memory_space<vmem>>) semaphore(%run_scoped3A : memref<!tpu.dma_semaphore, #tpu.memory_space<semaphore_mem>>) {add = true}
          %dma_wait3A_62 = arith.constant 0 : i32
          %dma_wait3A_63 = tpu.memref_slice %arg7[%add3A_37, %dma_wait3A_62] : memref<8x128xi32, #tpu.memory_space<vmem>> -> memref<1x128xi32, #tpu.memory_space<vmem>>
          %dma_wait3A_64 = tpu.memref_squeeze %dma_wait3A_63 : memref<1x128xi32, #tpu.memory_space<vmem>> -> memref<128xi32, #tpu.memory_space<vmem>>
          %dma_wait3A_65 = arith.constant 0 : i32
          %dma_wait3A_66 = arith.constant 0 : i32
          %dma_wait3A_67 = tpu.memref_slice %arg10[%dma_wait3A_65, %dma_wait3A_66] : memref<8320x128xf32, #tpu.memory_space<vmem_shared>> -> memref<8320x128xf32, #tpu.memory_space<vmem_shared>>
          tpu.wait_indirect_dma semaphore(%run_scoped3A : memref<!tpu.dma_semaphore, #tpu.memory_space<semaphore_mem>>) src(%arg8 : memref<128x128xf32, #tpu.memory_space<vmem>>) dst(%dma_wait3A_67 : memref<8320x128xf32, #tpu.memory_space<vmem_shared>>)
          tpu.yield
        }) : () -> ()
      }
      %scan3A_23 = arith.constant 8 : i32
      %barrier3A_24 = arith.constant 0 : index
      tpu.barrier barrier_id(%barrier3A_24)
      %mul3A_25 = arith.constant 512 : i32
      %mul3A_26 = arith.muli %arg1, %mul3A_25 : i32
      %mul3A_27 = arith.constant 8192 : i32
      %mul3A_28 = arith.muli %arg0, %mul3A_27 : i32
      %mul3A_29 = arith.constant 512 : i32
      %mul3A_30 = arith.muli %arg1, %mul3A_29 : i32
      %add3A_31 = arith.addi %mul3A_28, %mul3A_30 : i32
      "tpu.region"() ({
        %run_scoped3A = tpu.sem_alloc : memref<!tpu.dma_semaphore, #tpu.memory_space<semaphore_mem>>
        %dma_start3A = arith.constant 0 : i32
        %dma_start3A_33 = arith.constant 0 : i32
        %dma_start3A_34 = tpu.memref_slice %arg5[%add3A_11, %dma_start3A, %dma_start3A_33] : memref<8x16384x128xf32, #tpu.memory_space<hbm>> -> memref<1x16384x128xf32, #tpu.memory_space<hbm>>
        %dma_start3A_35 = tpu.memref_squeeze %dma_start3A_34 : memref<1x16384x128xf32, #tpu.memory_space<hbm>> -> memref<16384x128xf32, #tpu.memory_space<hbm>>
        %dma_start3A_36 = arith.constant 0 : i32
        %dma_start3A_37 = tpu.memref_slice %dma_start3A_35[%add3A_31, %dma_start3A_36] : memref<16384x128xf32, #tpu.memory_space<hbm>> -> memref<512x128xf32, #tpu.memory_space<hbm>>
        %dma_start3A_38 = arith.constant 0 : i32
        %dma_start3A_39 = tpu.memref_slice %arg10[%mul3A_26, %dma_start3A_38] : memref<8320x128xf32, #tpu.memory_space<vmem_shared>> -> memref<512x128xf32, #tpu.memory_space<vmem_shared>>
        tpu.enqueue_dma source(%dma_start3A_39 : memref<512x128xf32, #tpu.memory_space<vmem_shared>>) target(%dma_start3A_37 : memref<512x128xf32, #tpu.memory_space<hbm>>) target_semaphore(%run_scoped3A : memref<!tpu.dma_semaphore, #tpu.memory_space<semaphore_mem>>)
        %dma_wait3A = arith.constant 0 : i32
        %dma_wait3A_40 = arith.constant 0 : i32
        %dma_wait3A_41 = tpu.memref_slice %arg5[%add3A_11, %dma_wait3A, %dma_wait3A_40] : memref<8x16384x128xf32, #tpu.memory_space<hbm>> -> memref<1x16384x128xf32, #tpu.memory_space<hbm>>
        %dma_wait3A_42 = tpu.memref_squeeze %dma_wait3A_41 : memref<1x16384x128xf32, #tpu.memory_space<hbm>> -> memref<16384x128xf32, #tpu.memory_space<hbm>>
        %dma_wait3A_43 = arith.constant 0 : i32
        %dma_wait3A_44 = tpu.memref_slice %dma_wait3A_42[%add3A_31, %dma_wait3A_43] : memref<16384x128xf32, #tpu.memory_space<hbm>> -> memref<512x128xf32, #tpu.memory_space<hbm>>
        %dma_wait3A_45 = arith.constant 0 : i32
        %dma_wait3A_46 = tpu.memref_slice %arg10[%mul3A_26, %dma_wait3A_45] : memref<8320x128xf32, #tpu.memory_space<vmem_shared>> -> memref<512x128xf32, #tpu.memory_space<vmem_shared>>
        tpu.wait_dma2 semaphore(%run_scoped3A : memref<!tpu.dma_semaphore, #tpu.memory_space<semaphore_mem>>) src(%dma_wait3A_46 : memref<512x128xf32, #tpu.memory_space<vmem_shared>>) dst(%dma_wait3A_44 : memref<512x128xf32, #tpu.memory_space<hbm>>)
        tpu.yield
      }) : () -> ()
      %barrier3A_32 = arith.constant 0 : index
      tpu.barrier barrier_id(%barrier3A_32)
    }
    %scan3A_8 = arith.constant 8 : i32
    return
  }
}

module attributes {stable_mosaic.version = 14 : i64} {
  func.func @_final_body(%arg0: i32, %arg1: i32, %arg2: memref<1x1024x128xf32, #tpu.memory_space<vmem>>, %arg3: memref<1x1024x128xf32, #tpu.memory_space<vmem>>, %arg4: memref<128x128xf32, #tpu.memory_space<vmem>>, %arg5: memref<1x128xf32, #tpu.memory_space<vmem>>, %arg6: memref<1x1024x128xf32, #tpu.memory_space<vmem>>) attributes {dimension_semantics = [#tpu.dimension_semantics<arbitrary>, #tpu.dimension_semantics<arbitrary>], iteration_bounds = array<i64: 8, 16>, scalar_prefetch = 0 : i64, scratch_operands = 0 : i64, tpu.core_type = #tpu.core_type<tc>, window_params = [{transform_indices = @transform_0, window_bounds = array<i64: 1, 1024, 128>}, {transform_indices = @transform_1, window_bounds = array<i64: 1, 1024, 128>}, {pipeline_mode = #tpu.pipeline_mode<synchronous>, transform_indices = @transform_2, window_bounds = array<i64: 128, 128>}, {pipeline_mode = #tpu.pipeline_mode<synchronous>, transform_indices = @transform_3, window_bounds = array<i64: 1, 128>}, {transform_indices = @transform_4, window_bounds = array<i64: 1, 1024, 128>}]} {
    %get3A = arith.constant 0 : index
    %get3A_0 = arith.constant 0 : index
    %get3A_1 = arith.constant 0 : index
    %get3A_2 = vector.load %arg2[%get3A, %get3A_0, %get3A_1] : memref<1x1024x128xf32, #tpu.memory_space<vmem>>, vector<1x1024x128xf32>
    %get3A_3 = vector.shape_cast %get3A_2 : vector<1x1024x128xf32> to vector<1024x128xf32>
    %get3A_4 = arith.constant 0 : index
    %get3A_5 = arith.constant 0 : index
    %get3A_6 = vector.load %arg4[%get3A_4, %get3A_5] : memref<128x128xf32, #tpu.memory_space<vmem>>, vector<128x128xf32>
    %dot_general3A = arith.constant dense<0.000000e+00> : vector<1024x128xf32>
    %dot_general3A_7 = tpu.matmul %get3A_3, %get3A_6, %dot_general3A {dimension_numbers = #tpu.dot_dimension_numbers<[1], [0], [0], [1], [0, 0, 1, 1], [], []>, transpose_lhs_hint = false} : vector<1024x128xf32>, vector<128x128xf32>, vector<1024x128xf32> -> vector<1024x128xf32>
    %get3A_8 = arith.constant 0 : index
    %get3A_9 = arith.constant 0 : index
    %get3A_10 = arith.constant 0 : index
    %get3A_11 = vector.load %arg3[%get3A_8, %get3A_9, %get3A_10] : memref<1x1024x128xf32, #tpu.memory_space<vmem>>, vector<1x1024x128xf32>
    %get3A_12 = vector.shape_cast %get3A_11 : vector<1x1024x128xf32> to vector<1024x128xf32>
    %add3A = arith.addf %dot_general3A_7, %get3A_12 : vector<1024x128xf32>
    %get3A_13 = arith.constant 0 : index
    %get3A_14 = arith.constant 0 : index
    %get3A_15 = vector.load %arg5[%get3A_13, %get3A_14] : memref<1x128xf32, #tpu.memory_space<vmem>>, vector<1x128xf32>
    %add3A_16 = vector.broadcast %get3A_15 : vector<1x128xf32> to vector<1024x128xf32>
    %add3A_17 = arith.addf %add3A, %add3A_16 : vector<1024x128xf32>
    %max3A = arith.constant 0.000000e+00 : f32
    %max3A_18 = vector.broadcast %max3A : f32 to vector<1024x128xf32>
    %max3A_19 = arith.maximumf %add3A_17, %max3A_18 : vector<1024x128xf32>
    %swap3A = arith.constant 0 : index
    %swap3A_20 = arith.constant 0 : index
    %swap3A_21 = arith.constant 0 : index
    %swap3A_22 = vector.load %arg6[%swap3A, %swap3A_20, %swap3A_21] : memref<1x1024x128xf32, #tpu.memory_space<vmem>>, vector<1x1024x128xf32>
    %swap3A_23 = vector.shape_cast %swap3A_22 : vector<1x1024x128xf32> to vector<1024x128xf32>
    %swap3A_24 = vector.shape_cast %max3A_19 : vector<1024x128xf32> to vector<1x1024x128xf32>
    tpu.vector_store %arg6[%swap3A, %swap3A_20, %swap3A_21], %swap3A_24 {strides = array<i32>} : memref<1x1024x128xf32, #tpu.memory_space<vmem>>, vector<1x1024x128xf32>,
    return
  }
  func.func @transform_0(%arg0: i32, %arg1: i32) -> (i32, i32, i32) {
    %c0_i32 = arith.constant 0 : i32
    %c0_i32_0 = arith.constant 0 : i32
    return %arg0, %arg1, %c0_i32 : i32, i32, i32
  }
  func.func @transform_1(%arg0: i32, %arg1: i32) -> (i32, i32, i32) {
    %c0_i32 = arith.constant 0 : i32
    %c0_i32_0 = arith.constant 0 : i32
    return %arg0, %arg1, %c0_i32 : i32, i32, i32
  }
  func.func @transform_2(%arg0: i32, %arg1: i32) -> (i32, i32) {
    %c0_i32 = arith.constant 0 : i32
    %c0_i32_0 = arith.constant 0 : i32
    %c0_i32_1 = arith.constant 0 : i32
    return %c0_i32, %c0_i32_0 : i32, i32
  }
  func.func @transform_3(%arg0: i32, %arg1: i32) -> (i32, i32) {
    %c0_i32 = arith.constant 0 : i32
    %c0_i32_0 = arith.constant 0 : i32
    %c0_i32_1 = arith.constant 0 : i32
    return %c0_i32, %c0_i32_0 : i32, i32
  }
  func.func @transform_4(%arg0: i32, %arg1: i32) -> (i32, i32, i32) {
    %c0_i32 = arith.constant 0 : i32
    %c0_i32_0 = arith.constant 0 : i32
    return %arg0, %arg1, %c0_i32 : i32, i32, i32
  }
}

module attributes {stable_mosaic.version = 14 : i64} {
  func.func @_g_matmul_body(%arg0: i32, %arg1: memref<1x8192x128xf32, #tpu.memory_space<vmem>>, %arg2: memref<128x128xf32, #tpu.memory_space<vmem>>, %arg3: memref<1x8192x128xf32, #tpu.memory_space<vmem>>) attributes {dimension_semantics = [#tpu.dimension_semantics<arbitrary>], iteration_bounds = array<i64: 8>, scalar_prefetch = 0 : i64, scratch_operands = 0 : i64, tpu.core_type = #tpu.core_type<tc>, window_params = [{transform_indices = @transform_0, window_bounds = array<i64: 1, 8192, 128>}, {pipeline_mode = #tpu.pipeline_mode<synchronous>, transform_indices = @transform_1, window_bounds = array<i64: 128, 128>}, {transform_indices = @transform_2, window_bounds = array<i64: 1, 8192, 128>}]} {
    %get3A = arith.constant 0 : index
    %get3A_0 = arith.constant 0 : index
    %get3A_1 = arith.constant 0 : index
    %get3A_2 = vector.load %arg1[%get3A, %get3A_0, %get3A_1] : memref<1x8192x128xf32, #tpu.memory_space<vmem>>, vector<1x8192x128xf32>
    %get3A_3 = vector.shape_cast %get3A_2 : vector<1x8192x128xf32> to vector<8192x128xf32>
    %get3A_4 = arith.constant 0 : index
    %get3A_5 = arith.constant 0 : index
    %get3A_6 = vector.load %arg2[%get3A_4, %get3A_5] : memref<128x128xf32, #tpu.memory_space<vmem>>, vector<128x128xf32>
    %dot_general3A = arith.constant dense<0.000000e+00> : vector<8192x128xf32>
    %dot_general3A_7 = tpu.matmul %get3A_3, %get3A_6, %dot_general3A {dimension_numbers = #tpu.dot_dimension_numbers<[1], [0], [0], [1], [0, 0, 1, 1], [], []>, transpose_lhs_hint = false} : vector<8192x128xf32>, vector<128x128xf32>, vector<8192x128xf32> -> vector<8192x128xf32>
    %swap3A = arith.constant 0 : index
    %swap3A_8 = arith.constant 0 : index
    %swap3A_9 = arith.constant 0 : index
    %swap3A_10 = vector.load %arg3[%swap3A, %swap3A_8, %swap3A_9] : memref<1x8192x128xf32, #tpu.memory_space<vmem>>, vector<1x8192x128xf32>
    %swap3A_11 = vector.shape_cast %swap3A_10 : vector<1x8192x128xf32> to vector<8192x128xf32>
    %swap3A_12 = vector.shape_cast %dot_general3A_7 : vector<8192x128xf32> to vector<1x8192x128xf32>
    tpu.vector_store %arg3[%swap3A, %swap3A_8, %swap3A_9], %swap3A_12 {strides = array<i32>} : memref<1x8192x128xf32, #tpu.memory_space<vmem>>, vector<1x8192x128xf32>,
    return
  }
  func.func @transform_0(%arg0: i32) -> (i32, i32, i32) {
    %c0_i32 = arith.constant 0 : i32
    %c0_i32_0 = arith.constant 0 : i32
    %c0_i32_1 = arith.constant 0 : i32
    return %arg0, %c0_i32, %c0_i32_0 : i32, i32, i32
  }
  func.func @transform_1(%arg0: i32) -> (i32, i32) {
    %c0_i32 = arith.constant 0 : i32
    %c0_i32_0 = arith.constant 0 : i32
    %c0_i32_1 = arith.constant 0 : i32
    return %c0_i32, %c0_i32_0 : i32, i32
  }
  func.func @transform_2(%arg0: i32) -> (i32, i32, i32) {
    %c0_i32 = arith.constant 0 : i32
    %c0_i32_0 = arith.constant 0 : i32
    %c0_i32_1 = arith.constant 0 : i32
    return %arg0, %c0_i32, %c0_i32_0 : i32, i32, i32
  }
}

</mosaic_0001>

<sc_bundles>
// kernel: kernel.5.cloned.1.call-start
scs
__scs_entry_jumppad:
0x0: {  	(pc) =	sbr.rel $0x88, $3  }
0x1: {  	(tag) =	ssettag $0x0;
	lr =	simm.s32 $0x1  }
0x2: {  	[smem:$0x3F9B] =	sst lr;
	_ =	strace $0xD0000000  }
0x3: {  	_ = 	snop  }
0x4: {  	_ = 	snop  }
0x5: {  	_ = 	snop  }
0x6: {  	_ = 	snop  }
0x7: {  	_ = 	snop  }
__scs_overlays_trampoline_lowered:
0x8: {  	[smem:$0x3FAA] =	sst s0  }
0x9: {  	[smem:$0x3FAB] =	sst s1  }
0xa: {  	[smem:$0x3FAC] =	sst s2  }
0xb: {  	[smem:$0x3FAD] =	sst s3  }
0xc: {  	[smem:$0x3FAE] =	sst s4  }
0xd: {  	[smem:$0x3FAF] =	sst s5  }
0xe: {  	[smem:$0x3FB0] =	sst s6  }
0xf: {  	[smem:$0x3FB1] =	sst s7  }
0x10: {  	[smem:$0x3FB2] =	sst s8  }
0x11: {  	[smem:$0x3FB3] =	sst s9;
	s0 =	simm.s32 @!p0 $0x0  }
0x12: {  	s1 =	sld [smem:$0x3F99];
	s0 =	simm.s32 @p0 $0x1  }
0x13: {  	[smem:$0x3FB4] =	sst s0;
	s0 =	simm.s32 @!p1 $0x0  }
0x14: {  	s2 =	sld [smem:$0x3F98];
	s0 =	simm.s32 @p1 $0x1  }
0x15: {  	[smem:$0x3FB5] =	sst s0;
	s0 =	simm.s32 @!p2 $0x0  }
0x16: {  	s3 =	sld [smem:$0x3FDB];
	s0 =	simm.s32 @p2 $0x1  }
0x17: {  	s4 =	simm.s32 $0x1BF5;
	[smem:$0x3FB7] =	sst s0  }
0x18: {  	s0 =	sld [smem:$0x3F9A];
	_ =	swait.ge [sflag:s4], $0x0  }
0x19: {  	s7 =	sld [smem:$0x3F9B]  }
0x1a: {  	s8 =	sadd.s32 $0xFFFFE003, lr  }
0x1b: {  	s9 =	sadd.s32 $0xFFFFFEF7, lr;
	s5 =	simm.s32 $0xFFFFFFFF;
	p2 =	slt.u32 s8, $0xFFFFF086  }
0x1c: {  	p1 =	slt.u32 s9, $0xF7A;
	s5 =	simm.s32 @!p2 $0x0  }
0x1d: {  	s5 =	simm.s32 @p1 $0x1;
	p0 =	seq.s32 s7, s2  }
0x1e: {  	s7 =	smul.u32 @!p0 $0xF7A, s2;
	p2 =	seq.s32 @!p0 s5, $0x0  }
0x1f: {  	s9 =	smul.u32 $0xF7A, s1;
	s8 =	simm.s32 @!p0 $0x1BF5;
	p2 =	por !p2, p0  }
0x20: {  	[sflag:s8] =	ssyncset.s32 @!p0 $0xFFFFF086;
	s6 =	sadd.s32 @!p0 s3, s7;
	s7 =	simm.s32 @!p0 $0x108  }
0x21: {  	s3 =	sadd.s32 s3, s9;
	s6 =	sadd.s32 @!p0 $0x88, s6;
	s7 =	simm.s32 @p2 $0x1082  }
0x22: {  	[simem:s7], [sflag:s8] =	dma.local @!p0 [hbm:s6], $0xF7A  }
0x23: {  	s9 =	sor.u32 $0xD0000000, s2;
	s6 =	simm.s32 $0x108;
	_ =	swait.ge @!p0 [sflag:s8], $0x0  }
0x24: {  	s3 =	sadd.s32 $0x88, s3;
	s6 =	simm.s32 @!p1 $0x1082;
	[sflag:s4] =	ssyncset.s32 $0xFFFFF086  }
0x25: {  	[simem:s6], [sflag:s4] =	dma.local [hbm:s3], $0xF7A  }
0x26: {  	[smem:$0x3F9B] =	sst s1;
	(tag) =	ssettag s2;
	_ =	strace s9  }
0x27: {  	s1 =	sld [smem:$0x3FAB]  }
0x28: {  	s2 =	sld [smem:$0x3FAC]  }
0x29: {  	s4 =	sld [smem:$0x3FAE]  }
0x2a: {  	p0 =	seq.s32 s5, $0x0;
	s5 =	sld [smem:$0x3FAF]  }
0x2b: {  	s6 =	sld [smem:$0x3FB0]  }
0x2c: {  	s7 =	sld [smem:$0x3FB1]  }
0x2d: {  	s3 =	simm.s32 $0x108;
	s8 =	sld [smem:$0x3FB2]  }
0x2e: {  	s3 =	simm.s32 @!p0 $0x1082;
	s9 =	sld [smem:$0x3FB3]  }
0x2f: {  	lr =	sadd.s32 s0, s3;
	s0 =	sld [smem:$0x3FAA]  }
0x30: {  	s3 =	sld [smem:$0x3FAD]  }
0x31: {  	[smem:$0x3FB6] =	sst s10  }
0x32: {  	s10 =	sld [smem:$0x3FB4];
	_ =	sdelay $0x3  }
0x33: {  	p0 =	seq.s32 s10, $0x1;
	s10 =	sld [smem:$0x3FB6];
	_ =	sdelay $0x3  }
0x34: {  	[smem:$0x3FB6] =	sst s10  }
0x35: {  	s10 =	sld [smem:$0x3FB5];
	_ =	sdelay $0x3  }
0x36: {  	p1 =	seq.s32 s10, $0x1;
	s10 =	sld [smem:$0x3FB6];
	_ =	sdelay $0x3  }
0x37: {  	[smem:$0x3FB6] =	sst s10  }
0x38: {  	s10 =	sld [smem:$0x3FB7]  }
0x39: {  	_ = 	snop;
	(pc) =	sbr.ind lr, $3  }
0x3a: {  	_ = 	snop  }
0x3b: {  	_ = 	snop  }
0x3c: {  	p2 =	seq.s32 s10, $0x1;
	s10 =	sld [smem:$0x3FB6]  }
0x3d: {  	_ =	shalt  }
0x3e: {  	_ =	shalt  }
0x3f: {  	_ =	shalt  }
0x40: {  	_ =	shalt  }
0x41: {  	_ =	shalt  }
0x42: {  	_ =	shalt  }
0x43: {  	_ =	shalt  }
0x44: {  	_ =	shalt  }
0x45: {  	_ =	shalt  }
0x46: {  	_ =	shalt  }
0x47: {  	_ =	shalt  }
0x48: {  	_ =	shalt  }
0x49: {  	_ =	shalt  }
0x4a: {  	_ =	shalt  }
0x4b: {  	_ =	shalt  }
0x4c: {  	_ =	shalt  }
0x4d: {  	_ =	shalt  }
0x4e: {  	_ =	shalt  }
0x4f: {  	_ =	shalt  }
0x50: {  	_ =	shalt  }
0x51: {  	_ =	shalt  }
0x52: {  	_ =	shalt  }
0x53: {  	_ =	shalt  }
0x54: {  	_ =	shalt  }
0x55: {  	_ =	shalt  }
0x56: {  	_ =	shalt  }
0x57: {  	_ =	shalt  }
0x58: {  	_ =	shalt  }
0x59: {  	_ =	shalt  }
0x5a: {  	_ =	shalt  }
0x5b: {  	_ =	shalt  }
0x5c: {  	_ =	shalt  }
0x5d: {  	_ =	shalt  }
0x5e: {  	_ =	shalt  }
0x5f: {  	_ =	shalt  }
0x60: {  	_ =	shalt  }
0x61: {  	_ =	shalt  }
0x62: {  	_ =	shalt  }
0x63: {  	_ =	shalt  }
0x64: {  	_ =	shalt  }
0x65: {  	_ =	shalt  }
0x66: {  	_ =	shalt  }
0x67: {  	_ =	shalt  }
0x68: {  	_ =	shalt  }
0x69: {  	_ =	shalt  }
0x6a: {  	_ =	shalt  }
0x6b: {  	_ =	shalt  }
0x6c: {  	_ =	shalt  }
0x6d: {  	_ =	shalt  }
0x6e: {  	_ =	shalt  }
0x6f: {  	_ =	shalt  }
0x70: {  	_ =	shalt  }
0x71: {  	_ =	shalt  }
0x72: {  	_ =	shalt  }
0x73: {  	_ =	shalt  }
0x74: {  	_ =	shalt  }
0x75: {  	_ =	shalt  }
0x76: {  	_ =	shalt  }
0x77: {  	_ =	shalt  }
0x78: {  	_ =	shalt  }
0x79: {  	_ =	shalt  }
0x7a: {  	_ =	shalt  }
0x7b: {  	_ =	shalt  }
0x7c: {  	_ =	shalt  }
0x7d: {  	_ =	shalt  }
0x7e: {  	_ =	shalt  }
0x7f: {  	_ =	shalt  }
0x80: {  	_ =	shalt  }
0x81: {  	_ =	shalt  }
0x82: {  	_ =	shalt  }
0x83: {  	_ =	shalt  }
0x84: {  	_ =	shalt  }
0x85: {  	_ =	shalt  }
0x86: {  	_ =	shalt  }
0x87: {  	_ =	shalt  }
.Lfunc_end0:
.L_simem_size_0:
called_computation_lowered:
.L_overlay_start_0:
0x88: {  	s2 =	sld [smem:$0x3FD9]  }
0x89: {  	s3 =	sld [smem:$0x3FFE];
	_ =	sdelay $0x1  }
0x8a: {  	s1 =	srdreg.scid  }
0x8b: {  	s0 =	sand.u32 $0x1, s1  }
0x8c: {  	s17 =	sshll.u32 s0, $0xA;
	s2 =	sadd.s32 s3, s2  }
0x8d: {  	s2 =	sadd.s32 s2, s17  }
0x8e: {  	[smem:$0x3FC2] =	sst s2  }
0x8f: {  	_ = 	snop  }
0x90: {  	s2 =	sld [smem:$0x3FD0];
	(tm) =	ssettm $0x1  }
0x91: {  	s18 =	sld [smem:$0x3FFB];
	_ =	sdelay $0x3  }
0x92: {  	_ =	strace s18  }
0x93: {  	s3 =	sld [smem:$0x3FFC];
	_ =	sdelay $0x3  }
0x94: {  	_ =	strace s3  }
0x95: {  	s3 =	sld [smem:$0x3FFD];
	_ =	sdelay $0x3  }
0x96: {  	_ =	strace s3  }
0x97: {  	_ =	strace $0x8FFFFFFF  }
0x98: {  	s19 =	sld [smem:$0x3FDB];
	_ =	sdelay $0x1  }
0x99: {  	s4 =	simm.s32 $_scs_section_size  }
0x9a: {  	s5 =	simm.s32 $_size__tile_overlayer_lowered;
	s6 =	simm.s32 $_tile_overlayer_lowered  }
0x9b: {  	s22 =	simm.s32 $0x1BFF;
	s21 =	sshll.u32 s6, $0x1;
	s3 =	sadd.s32 s4, s19  }
0x9c: {  	s7 =	simm.s32 $0x0;
	s20 =	sshll.u32 s5, $0x1;
	s5 =	sadd.s32 s21, s3  }
0x9d: {  	[timem:s7], [sflag:s22] =	dma.local [hbm:s5], s20  }
0x9e: {  	_ =	swait.ge [sflag:s22], s20  }
0x9f: {  	s4 =	ssub.s32 $0x0, s20;
	[sflag:s22] =	ssyncset.done $0x0  }
0xa0: {  	[sflag:s22] =	ssyncadd.s32 s4;
	_ =	sdelay $0x1  }
0xa1: {  	s23 =	simm.s32 $0x1B8B  }
0xa2: {  	_ =	swait.ge [sflag:s23], $0x1  }
0xa3: {  	[sflag:s23] =	ssyncset.done $0x0  }
0xa4: {  	s25 =	simm.s32 $0x1B8E;
	s24 =	sld [smem:$0x3FFE];
	[sflag:s23] =	ssyncadd.s32 $0xFFFFFFFF  }
0xa5: {  	s26 =	simm.s32 $execute0_lowered;
	[smem:$0x3FD2] =	sst s25  }
0xa6: {  	s5 =	sshll.u32 s26, $0x1;
	_ =	strace $0x80000046;
	[dreg:$0x1] =	wrdreg $0xFFFFFFFF  }
0xa7: {  	s28 =	simm.s32 $_size_execute0_lowered;
	s3 =	sadd.s32 s3, s5;
	[dreg:$0x0] =	wrdreg $0x0  }
0xa8: {  	s5 =	sshll.u32 s28, $0x1;
	[dreg:$0x2] =	wrdreg s3  }
0xa9: {  	[dreg:$0x3] =	wrdreg s5  }
0xaa: {  	[dreg:$0x4] =	wrdreg $0xC0  }
0xab: {  	_ =	task [dreg:s7], $0x5FFFF  }
0xac: {  	[dreg:$0x1] =	wrdreg $0xFFFFFFFF  }
0xad: {  	[dreg:$0x0] =	wrdreg $0x60  }
0xae: {  	[dreg:$0x2] =	wrdreg s2  }
0xaf: {  	[dreg:$0x3] =	wrdreg s24  }
0xb0: {  	[dreg:$0x4] =	wrdreg $0x88000  }
0xb1: {  	[dreg:$0x5] =	wrdreg $0x9  }
0xb2: {  	_ =	task.clear_ibuf [dreg:s7], $0x6FFFF;
	_ =	strace $0x90000046  }
0xb3: {  	s29 =	simm.s32 $0x9;
	_ =	strace $0x80000048  }
0xb4: {  	_ =	swait.ge [sflag:s29], $0x1  }
0xb5: {  	[sflag:s29] =	ssyncadd.s32 $0xFFFFFFFF  }
0xb6: {  	_ =	strace $0x90000048  }
0xb7: {  	_ =	sfence  }
0xb8: {  	s30 =	sld [smem:$0x0];
	_ =	sdelay $0x2  }
0xb9: {  	s31 =	sshll.u32 s1, $0xD;
	s1 =	sshrl.u32 s1, $0x2  }
0xba: {  	s3 =	sand.u32 $0x4000, s31;
	s1 =	sadd.s32 s1, s30  }
0xbb: {  	s0 =	sor.u32 s3, s0;
	s1 =	sshll.u32 s1, $0x11  }
0xbc: {  	s0 =	sor.u32 s1, s0  }
0xbd: {  	s0 =	sadd.s32 $0x8F2B, s0  }
0xbe: {  	[sflag:s0] =	ssyncadd.remote.s32 $0x1  }
0xbf: {  	_ =	sfence.sel $0xFFFF  }
0xc0: {  	[dreg:$0x0] =	wrdreg $0xFFFFFFFF;
	(pc) =	sbr.abs _section_cstart, $3  }
0xc1: {  	[dreg:$0x1] =	wrdreg $0xFFFFFFFF  }
0xc2: {  	_ =	task.clear_ibuf [dreg:s7], $0x2FFFF;
	_ =	strace $0x9FFFFFFF  }
0xc3: {  	(tm) =	ssettm $0x7FFFFFFF  }
tec
execute0_lowered:
.L_overlay_start_1:
0x0: {  	(tag) =	ssettag $0x1  }
0x1: {  	s1 =	rddreg [dreg:$0x0]  }
0x2: {  	s4 =	rddreg [dreg:$0x1]  }
0x3: {  	s2 =	rddreg [dreg:$0x2]  }
0x4: {  	s0 =	rddreg [dreg:$0x3]  }
0x5: {  	s3 =	simm.s32 $0x0;
	s5 =	srdreg.scid;
	s29 =	simm.s32 $0x480  }
0x6: {  	s30 =	simm.s32 $0x100;
	s31 =	simm.s32 $0x500;
	s12 =	simm.s32 $0x180  }
0x7: {  	s13 =	simm.s32 $0x580;
	[smem:$0x7FF] =	sst s3;
	s21 =	sadd.s32 $0xC00, s4  }
0x8: {  	s8 =	sadd.s32 $0x100000, s2;
	_ =	strace $0x80000047;
	[dreg:$0x4] =	wrdreg s21  }
0x9: {  	s14 =	simm.s32 $0x200;
	s15 =	simm.s32 $0x600;
	[dreg:$0x5] =	wrdreg s8  }
0xa: {  	s16 =	simm.s32 $0x680;
	s17 =	simm.s32 $0x300;
	[dreg:$0xb] =	wrdreg s29  }
0xb: {  	s18 =	simm.s32 $0x700;
	s19 =	simm.s32 $0x380;
	[dreg:$0xc] =	wrdreg s30  }
0xc: {  	s20 =	simm.s32 $0x780;
	s6 =	sand.u32 $0x1, s5;
	[dreg:$0xd] =	wrdreg s31  }
0xd: {  	s5 =	sadd.s32 $0xCC00, s4;
	s7 =	sshll.u32 s6, $0xE;
	[dreg:$0xe] =	wrdreg s12  }
0xe: {  	s9 =	ssub.s32 $0x2, s6;
	s22 =	sshll.u32 s6, $0x11;
	[dreg:$0xf] =	wrdreg s13  }
0xf: {  	s12 =	simm.s32 $0x80;
	s13 =	simm.s32 $0x800;
	[dreg:$0x10] =	wrdreg s14  }
0x10: {  	s14 =	simm.s32 $0x1;
	[dreg:$0x11] =	wrdreg s15;
	s15 =	simm.s32 $0x280  }
0x11: {  	s21 =	simm.s32 $0x0;
	s7 =	sadd.s32 s7, s4;
	s4 =	stileid.u32  }
0x12: {  	s24 =	sshrl.u32 s9, $0x1;
	s10 =	sshll.u32 s4, $0x10;
	s7 =	sadd.s32 $0x4C00, s7  }
0x13: {  	s11 =	sshll.u32 s4, $0xD;
	s8 =	ssub.s32 s9, s24;
	p0 =	sne.s32 s4, $0xF  }
0x14: {  	s6 =	sadd.s32 s10, s2;
	[dreg:$0x6] =	wrdreg s7;
	s23 =	sor.u32 s11, s22  }
0x15: {  	s9 =	simm.s32 $0x4800;
	[dreg:$0x7] =	wrdreg s23;
	s25 =	sadd.s32 $0x4000, s6  }
0x16: {  	s7 =	sshll.u32 s4, $0x7;
	s26 =	sadd.s32 $0x8000, s6;
	[dreg:$0x8] =	wrdreg s25  }
0x17: {  	s8 =	smax.u32 s8, $0x1;
	s28 =	sadd.s32 $0xC000, s6;
	[dreg:$0x9] =	wrdreg s26  }
0x18: {  	v0 =	vimm.f32 $0.0e+00;
	s10 =	simm.s32 $0x2;
	s11 =	simm.s32 $0x400;
	[dreg:$0xa] =	wrdreg s28  }
.LBB2_1:
0x19: {  	s22 =	simm.s32 $0x0;
	s23 =	simm.s32 $0x200  }
.LBB2_2:
0x1a: {  	p1 =	sne.s32 s23, $0xFE00;
	[tilespmem:s22+$0x4870] =	vst v0  }
0x1b: {  	[tilespmem:s22+$0x4800] =	vst v0  }
0x1c: {  	[tilespmem:s22+$0x4810] =	vst v0  }
.Ltmp0:
0x1d: {  	[tilespmem:s22+$0x4820] =	vst v0;
	(pc) =	sbr.rel @p1 .LBB2_2-.Ltmp0, $4  }
0x1e: {  	[tilespmem:s22+$0x4830] =	vst v0  }
0x1f: {  	[tilespmem:s22+$0x4840] =	vst v0  }
0x20: {  	[tilespmem:s22+$0x4850] =	vst v0  }
0x21: {  	[tilespmem:s22+$0x4860] =	vst v0;
	s22 =	sshra.s32 s23, $0x2;
	s23 =	sadd.s32 $0x200, s23  }
0x22: {  	[tilespmem:s22+$0x4870] =	vst v0  }
0x23: {  	[tilespmem:s22+$0x4800] =	vst v0  }
0x24: {  	[tilespmem:s22+$0x4810] =	vst v0  }
0x25: {  	[tilespmem:s22+$0x4820] =	vst v0  }
0x26: {  	[tilespmem:s22+$0x4830] =	vst v0  }
0x27: {  	[tilespmem:s22+$0x4840] =	vst v0  }
0x28: {  	[tilespmem:s22+$0x4850] =	vst v0  }
0x29: {  	[tilespmem:s22+$0x4860] =	vst v0  }
0x2a: {  	[spmem:s6] =	stream.linear.scatter [tilespmem:s9], [sflag:$0x2], $0x4000, $0x38;
	[tilespmem:$0x18C00] =	vst v63  }
0x2b: {  	_ =	swait.ge [sflag:s10], $0x4000  }
0x2c: {  	[sflag:s10] =	ssyncset.done $0x0  }
0x2d: {  	s25 =	rddreg [dreg:$0x8];
	[sflag:s10] =	ssyncadd.s32 $0xFFFFC000  }
0x2e: {  	[spmem:s25] =	stream.linear.scatter [tilespmem:s9], [sflag:$0x2], $0x4000, $0x38;
	[tilespmem:$0x18C00] =	vst v63  }
0x2f: {  	_ =	swait.ge [sflag:s10], $0x4000  }
0x30: {  	[sflag:s10] =	ssyncset.done $0x0  }
0x31: {  	s26 =	rddreg [dreg:$0x9];
	[sflag:s10] =	ssyncadd.s32 $0xFFFFC000  }
0x32: {  	[spmem:s26] =	stream.linear.scatter [tilespmem:s9], [sflag:$0x2], $0x4000, $0x38;
	[tilespmem:$0x18C00] =	vst v63  }
0x33: {  	_ =	swait.ge [sflag:s10], $0x4000  }
0x34: {  	[sflag:s10] =	ssyncset.done $0x0  }
0x35: {  	s30 =	rddreg [dreg:$0xa];
	[sflag:s10] =	ssyncadd.s32 $0xFFFFC000  }
0x36: {  	[spmem:s30] =	stream.linear.scatter [tilespmem:s9], [sflag:$0x2], $0x4000, $0x38;
	[tilespmem:$0x18C00] =	vst v63  }
0x37: {  	_ =	swait.ge [sflag:s10], $0x4000  }
0x38: {  	s22 =	simm.s32 @!p0 $0x4800;
	[sflag:s10] =	ssyncset.done $0x0  }
0x39: {  	s23 =	simm.s32 @!p0 $0x2;
	s24 =	rddreg [dreg:$0x5];
	[sflag:s10] =	ssyncadd.s32 $0xFFFFC000  }
0x3a: {  	[spmem:s24] =	stream.linear.scatter @!p0 [tilespmem:s22], [sflag:$0x2], $0x4000, $0x38;
	[tilespmem:$0x18C00] =	vst v63  }
0x3b: {  	_ =	swait.ge @!p0 [sflag:s23], $0x4000  }
0x3c: {  	[sflag:s23] =	ssyncset.done @!p0 $0x0  }
0x3d: {  	[sflag:s23] =	ssyncadd.s32 @!p0 $0xFFFFC000  }
0x3e: {  	[bflag:$0x0] =	sbarrier.arrive $0xFFFF  }
0x3f: {  	s31 =	rddreg [dreg:$0x4]  }
0x40: {  	s24 =	sadd.s32 $0x0, s31  }
0x41: {  	s24 =	sadd.s32 s7, s24  }
0x42: {  	[tilespmem:s3], [sflag:$0x2] =	stream.linear.gather [hbm4b:s24+s3], $0x400, $0x38;
	[tilespmem:$0x18C00] =	vst v63  }
0x43: {  	_ =	swait.ge [sflag:s10], $0x400  }
0x44: {  	s25 =	rddreg [dreg:$0x6]  }
0x45: {  	[sflag:s10] =	ssyncset.done $0x0;
	s24 =	sadd.s32 $0x0, s25  }
0x46: {  	[sflag:s10] =	ssyncadd.s32 $0xFFFFFC00;
	s24 =	sadd.s32 s7, s24  }
0x47: {  	[tilespmem:s11], [sflag:$0x2] =	stream.linear.gather [hbm4b:s24+s3], $0x400, $0x38;
	[tilespmem:$0x18C00] =	vst v63  }
0x48: {  	_ =	swait.ge [sflag:s10], $0x400  }
0x49: {  	[sflag:s10] =	ssyncset.done $0x0  }
0x4a: {  	[sflag:s10] =	ssyncadd.s32 $0xFFFFFC00  }
0x4b: {  	[tilespmem:s13], [sflag:$0x1] =	stream.indirect.gather [hbm4b:s1+s12], $0x80, s3, s12, $0xb8;
	[tilespmem:$0x18C00] =	vst v63  }
0x4c: {  	_ =	swait.ge [sflag:s14], $0x4000  }
0x4d: {  	[sflag:s14] =	ssyncset.done $0x0  }
0x4e: {  	[sflag:s14] =	ssyncadd.s32 $0xFFFFC000  }
0x4f: {  	[spmem:s2] =	stream.indirect.scatter.add.f32 [tilespmem:s13], [sflag:$0x2], $0x80, s11, s12, $0xb8;
	[tilespmem:$0x18C00] =	vst v63  }
0x50: {  	_ =	swait.ge [sflag:s10], $0x4000  }
0x51: {  	[sflag:s10] =	ssyncset.done $0x0  }
0x52: {  	[sflag:s10] =	ssyncadd.s32 $0xFFFFC000  }
0x53: {  	[tilespmem:s13], [sflag:$0x1] =	stream.indirect.gather [hbm4b:s1+s12], $0x80, s12, s12, $0xb8;
	[tilespmem:$0x18C00] =	vst v63  }
0x54: {  	_ =	swait.ge [sflag:s14], $0x4000  }
0x55: {  	[sflag:s14] =	ssyncset.done $0x0  }
0x56: {  	s26 =	rddreg [dreg:$0xb];
	[sflag:s14] =	ssyncadd.s32 $0xFFFFC000  }
0x57: {  	[spmem:s2] =	stream.indirect.scatter.add.f32 [tilespmem:s13], [sflag:$0x2], $0x80, s26, s12, $0xb8;
	[tilespmem:$0x18C00] =	vst v63  }
0x58: {  	_ =	swait.ge [sflag:s10], $0x4000  }
0x59: {  	[sflag:s10] =	ssyncset.done $0x0  }
0x5a: {  	s30 =	rddreg [dreg:$0xc];
	[sflag:s10] =	ssyncadd.s32 $0xFFFFC000  }
0x5b: {  	[tilespmem:s13], [sflag:$0x1] =	stream.indirect.gather [hbm4b:s1+s12], $0x80, s30, s12, $0xb8;
	[tilespmem:$0x18C00] =	vst v63  }
0x5c: {  	_ =	swait.ge [sflag:s14], $0x4000  }
0x5d: {  	[sflag:s14] =	ssyncset.done $0x0  }
0x5e: {  	s31 =	rddreg [dreg:$0xd];
	[sflag:s14] =	ssyncadd.s32 $0xFFFFC000  }
0x5f: {  	[spmem:s2] =	stream.indirect.scatter.add.f32 [tilespmem:s13], [sflag:$0x2], $0x80, s31, s12, $0xb8;
	[tilespmem:$0x18C00] =	vst v63  }
0x60: {  	_ =	swait.ge [sflag:s10], $0x4000  }
0x61: {  	[sflag:s10] =	ssyncset.done $0x0  }
0x62: {  	s25 =	rddreg [dreg:$0xe];
	[sflag:s10] =	ssyncadd.s32 $0xFFFFC000  }
0x63: {  	[tilespmem:s13], [sflag:$0x1] =	stream.indirect.gather [hbm4b:s1+s12], $0x80, s25, s12, $0xb8;
	[tilespmem:$0x18C00] =	vst v63  }
0x64: {  	_ =	swait.ge [sflag:s14], $0x4000  }
0x65: {  	[sflag:s14] =	ssyncset.done $0x0  }
0x66: {  	s26 =	rddreg [dreg:$0xf];
	[sflag:s14] =	ssyncadd.s32 $0xFFFFC000  }
0x67: {  	[spmem:s2] =	stream.indirect.scatter.add.f32 [tilespmem:s13], [sflag:$0x2], $0x80, s26, s12, $0xb8;
	[tilespmem:$0x18C00] =	vst v63  }
0x68: {  	_ =	swait.ge [sflag:s10], $0x4000  }
0x69: {  	[sflag:s10] =	ssyncset.done $0x0  }
0x6a: {  	s30 =	rddreg [dreg:$0x10];
	[sflag:s10] =	ssyncadd.s32 $0xFFFFC000  }
0x6b: {  	[tilespmem:s13], [sflag:$0x1] =	stream.indirect.gather [hbm4b:s1+s12], $0x80, s30, s12, $0xb8;
	[tilespmem:$0x18C00] =	vst v63  }
0x6c: {  	_ =	swait.ge [sflag:s14], $0x4000  }
0x6d: {  	[sflag:s14] =	ssyncset.done $0x0  }
0x6e: {  	s31 =	rddreg [dreg:$0x11];
	[sflag:s14] =	ssyncadd.s32 $0xFFFFC000  }
0x6f: {  	[spmem:s2] =	stream.indirect.scatter.add.f32 [tilespmem:s13], [sflag:$0x2], $0x80, s31, s12, $0xb8;
	[tilespmem:$0x18C00] =	vst v63  }
0x70: {  	_ =	swait.ge [sflag:s10], $0x4000  }
0x71: {  	[sflag:s10] =	ssyncset.done $0x0  }
0x72: {  	[sflag:s10] =	ssyncadd.s32 $0xFFFFC000  }
0x73: {  	[tilespmem:s13], [sflag:$0x1] =	stream.indirect.gather [hbm4b:s1+s12], $0x80, s15, s12, $0xb8;
	[tilespmem:$0x18C00] =	vst v63  }
0x74: {  	_ =	swait.ge [sflag:s14], $0x4000  }
0x75: {  	[sflag:s14] =	ssyncset.done $0x0  }
0x76: {  	[sflag:s14] =	ssyncadd.s32 $0xFFFFC000  }
0x77: {  	[spmem:s2] =	stream.indirect.scatter.add.f32 [tilespmem:s13], [sflag:$0x2], $0x80, s16, s12, $0xb8;
	[tilespmem:$0x18C00] =	vst v63  }
0x78: {  	_ =	swait.ge [sflag:s10], $0x4000  }
0x79: {  	[sflag:s10] =	ssyncset.done $0x0  }
0x7a: {  	[sflag:s10] =	ssyncadd.s32 $0xFFFFC000  }
0x7b: {  	[tilespmem:s13], [sflag:$0x1] =	stream.indirect.gather [hbm4b:s1+s12], $0x80, s17, s12, $0xb8;
	[tilespmem:$0x18C00] =	vst v63  }
0x7c: {  	_ =	swait.ge [sflag:s14], $0x4000  }
0x7d: {  	[sflag:s14] =	ssyncset.done $0x0  }
0x7e: {  	[sflag:s14] =	ssyncadd.s32 $0xFFFFC000  }
0x7f: {  	[spmem:s2] =	stream.indirect.scatter.add.f32 [tilespmem:s13], [sflag:$0x2], $0x80, s18, s12, $0xb8;
	[tilespmem:$0x18C00] =	vst v63  }
0x80: {  	_ =	swait.ge [sflag:s10], $0x4000  }
0x81: {  	[sflag:s10] =	ssyncset.done $0x0  }
0x82: {  	[sflag:s10] =	ssyncadd.s32 $0xFFFFC000  }
0x83: {  	[tilespmem:s13], [sflag:$0x1] =	stream.indirect.gather [hbm4b:s1+s12], $0x80, s19, s12, $0xb8;
	[tilespmem:$0x18C00] =	vst v63  }
0x84: {  	_ =	swait.ge [sflag:s14], $0x4000  }
0x85: {  	[sflag:s14] =	ssyncset.done $0x0  }
0x86: {  	[sflag:s14] =	ssyncadd.s32 $0xFFFFC000  }
0x87: {  	[spmem:s2] =	stream.indirect.scatter.add.f32 [tilespmem:s13], [sflag:$0x2], $0x80, s20, s12, $0xb8;
	[tilespmem:$0x18C00] =	vst v63  }
0x88: {  	_ =	swait.ge [sflag:s10], $0x4000  }
0x89: {  	[sflag:s10] =	ssyncset.done $0x0  }
0x8a: {  	[sflag:s10] =	ssyncadd.s32 $0xFFFFC000  }
0x8b: {  	[bflag:$0x0] =	sbarrier.arrive $0xFFFF  }
0x8c: {  	s26 =	sshll.u32 s4, $0x6;
	s25 =	rddreg [dreg:$0x7]  }
0x8d: {  	s24 =	sshrl.u32 s6, $0x3;
	s28 =	sadd.s32 s5, s25;
	s25 =	sor.u32 $0x1C02, s26  }
0x8e: {  	[hbm:s28], [sflag:s25] =	dma.local [spmem:s24], $0x2000  }
0x8f: {  	_ =	swait.ge [sflag:s10], $0x2000  }
0x90: {  	s29 =	smov.u32 s5;
	[sflag:s10] =	ssyncset.done $0x0  }
0x91: {  	s26 =	simm.s32 $0x800;
	s28 =	sadd.s32 $0x20000, s1;
	[sflag:s10] =	ssyncadd.s32 $0xFFFFE000  }
.LBB2_4:
0x92: {  	[bflag:$0x0] =	sbarrier.arrive $0xFFFF  }
0x93: {  	[spmem:s6] =	stream.linear.scatter [tilespmem:s9], [sflag:$0x2], $0x4000, $0x38;
	[tilespmem:$0x18C00] =	vst v63  }
0x94: {  	_ =	swait.ge [sflag:s10], $0x4000  }
0x95: {  	[sflag:s10] =	ssyncset.done $0x0  }
0x96: {  	s31 =	rddreg [dreg:$0x8];
	[sflag:s10] =	ssyncadd.s32 $0xFFFFC000  }
0x97: {  	[spmem:s31] =	stream.linear.scatter [tilespmem:s9], [sflag:$0x2], $0x4000, $0x38;
	[tilespmem:$0x18C00] =	vst v63  }
0x98: {  	_ =	swait.ge [sflag:s10], $0x4000  }
0x99: {  	[sflag:s10] =	ssyncset.done $0x0  }
0x9a: {  	s31 =	rddreg [dreg:$0x9];
	[sflag:s10] =	ssyncadd.s32 $0xFFFFC000  }
0x9b: {  	[spmem:s31] =	stream.linear.scatter [tilespmem:s9], [sflag:$0x2], $0x4000, $0x38;
	[tilespmem:$0x18C00] =	vst v63  }
0x9c: {  	_ =	swait.ge [sflag:s10], $0x4000  }
0x9d: {  	[sflag:s10] =	ssyncset.done $0x0  }
0x9e: {  	s31 =	rddreg [dreg:$0xa];
	[sflag:s10] =	ssyncadd.s32 $0xFFFFC000  }
0x9f: {  	[spmem:s31] =	stream.linear.scatter [tilespmem:s9], [sflag:$0x2], $0x4000, $0x38;
	[tilespmem:$0x18C00] =	vst v63  }
0xa0: {  	_ =	swait.ge [sflag:s10], $0x4000  }
0xa1: {  	[sflag:s10] =	ssyncset.done $0x0  }
0xa2: {  	s31 =	rddreg [dreg:$0x5];
	[sflag:s10] =	ssyncadd.s32 $0xFFFFC000  }
0xa3: {  	[spmem:s31] =	stream.linear.scatter @!p0 [tilespmem:s22], [sflag:$0x2], $0x4000, $0x38;
	[tilespmem:$0x18C00] =	vst v63  }
0xa4: {  	_ =	swait.ge @!p0 [sflag:s23], $0x4000  }
0xa5: {  	[sflag:s23] =	ssyncset.done @!p0 $0x0  }
0xa6: {  	[sflag:s23] =	ssyncadd.s32 @!p0 $0xFFFFC000  }
0xa7: {  	[bflag:$0x0] =	sbarrier.arrive $0xFFFF  }
0xa8: {  	s30 =	smov.u32 s26;
	s31 =	rddreg [dreg:$0x4]  }
0xa9: {  	s31 =	sadd.s32 s30, s31  }
0xaa: {  	s31 =	sadd.s32 s7, s31  }
0xab: {  	[tilespmem:s3], [sflag:$0x2] =	stream.linear.gather [hbm4b:s31+s3], $0x400, $0x38;
	[tilespmem:$0x18C00] =	vst v63  }
0xac: {  	_ =	swait.ge [sflag:s10], $0x400  }
0xad: {  	s31 =	rddreg [dreg:$0x6]  }
0xae: {  	[sflag:s10] =	ssyncset.done $0x0;
	s30 =	sadd.s32 s30, s31  }
0xaf: {  	[sflag:s10] =	ssyncadd.s32 $0xFFFFFC00;
	s30 =	sadd.s32 s7, s30  }
0xb0: {  	[tilespmem:s11], [sflag:$0x2] =	stream.linear.gather [hbm4b:s30+s3], $0x400, $0x38;
	[tilespmem:$0x18C00] =	vst v63  }
0xb1: {  	_ =	swait.ge [sflag:s10], $0x400  }
0xb2: {  	[sflag:s10] =	ssyncset.done $0x0  }
0xb3: {  	[sflag:s10] =	ssyncadd.s32 $0xFFFFFC00  }
0xb4: {  	[tilespmem:s13], [sflag:$0x1] =	stream.indirect.gather [hbm4b:s28+s12], $0x80, s3, s12, $0xb8;
	[tilespmem:$0x18C00] =	vst v63  }
0xb5: {  	_ =	swait.ge [sflag:s14], $0x4000  }
0xb6: {  	[sflag:s14] =	ssyncset.done $0x0  }
0xb7: {  	[sflag:s14] =	ssyncadd.s32 $0xFFFFC000  }
0xb8: {  	[spmem:s2] =	stream.indirect.scatter.add.f32 [tilespmem:s13], [sflag:$0x2], $0x80, s11, s12, $0xb8;
	[tilespmem:$0x18C00] =	vst v63  }
0xb9: {  	_ =	swait.ge [sflag:s10], $0x4000  }
0xba: {  	[sflag:s10] =	ssyncset.done $0x0  }
0xbb: {  	[sflag:s10] =	ssyncadd.s32 $0xFFFFC000  }
0xbc: {  	[tilespmem:s13], [sflag:$0x1] =	stream.indirect.gather [hbm4b:s28+s12], $0x80, s12, s12, $0xb8;
	[tilespmem:$0x18C00] =	vst v63  }
0xbd: {  	_ =	swait.ge [sflag:s14], $0x4000  }
0xbe: {  	[sflag:s14] =	ssyncset.done $0x0  }
0xbf: {  	s31 =	rddreg [dreg:$0xb];
	[sflag:s14] =	ssyncadd.s32 $0xFFFFC000  }
0xc0: {  	[spmem:s2] =	stream.indirect.scatter.add.f32 [tilespmem:s13], [sflag:$0x2], $0x80, s31, s12, $0xb8;
	[tilespmem:$0x18C00] =	vst v63  }
0xc1: {  	_ =	swait.ge [sflag:s10], $0x4000  }
0xc2: {  	[sflag:s10] =	ssyncset.done $0x0  }
0xc3: {  	s31 =	rddreg [dreg:$0xc];
	[sflag:s10] =	ssyncadd.s32 $0xFFFFC000  }
0xc4: {  	[tilespmem:s13], [sflag:$0x1] =	stream.indirect.gather [hbm4b:s28+s12], $0x80, s31, s12, $0xb8;
	[tilespmem:$0x18C00] =	vst v63  }
0xc5: {  	_ =	swait.ge [sflag:s14], $0x4000  }
0xc6: {  	[sflag:s14] =	ssyncset.done $0x0  }
0xc7: {  	s31 =	rddreg [dreg:$0xd];
	[sflag:s14] =	ssyncadd.s32 $0xFFFFC000  }
0xc8: {  	[spmem:s2] =	stream.indirect.scatter.add.f32 [tilespmem:s13], [sflag:$0x2], $0x80, s31, s12, $0xb8;
	[tilespmem:$0x18C00] =	vst v63  }
0xc9: {  	_ =	swait.ge [sflag:s10], $0x4000  }
0xca: {  	[sflag:s10] =	ssyncset.done $0x0  }
0xcb: {  	s31 =	rddreg [dreg:$0xe];
	[sflag:s10] =	ssyncadd.s32 $0xFFFFC000  }
0xcc: {  	[tilespmem:s13], [sflag:$0x1] =	stream.indirect.gather [hbm4b:s28+s12], $0x80, s31, s12, $0xb8;
	[tilespmem:$0x18C00] =	vst v63  }
0xcd: {  	_ =	swait.ge [sflag:s14], $0x4000  }
0xce: {  	[sflag:s14] =	ssyncset.done $0x0  }
0xcf: {  	s31 =	rddreg [dreg:$0xf];
	[sflag:s14] =	ssyncadd.s32 $0xFFFFC000  }
0xd0: {  	[spmem:s2] =	stream.indirect.scatter.add.f32 [tilespmem:s13], [sflag:$0x2], $0x80, s31, s12, $0xb8;
	[tilespmem:$0x18C00] =	vst v63  }
0xd1: {  	_ =	swait.ge [sflag:s10], $0x4000  }
0xd2: {  	[sflag:s10] =	ssyncset.done $0x0  }
0xd3: {  	s31 =	rddreg [dreg:$0x10];
	[sflag:s10] =	ssyncadd.s32 $0xFFFFC000  }
0xd4: {  	[tilespmem:s13], [sflag:$0x1] =	stream.indirect.gather [hbm4b:s28+s12], $0x80, s31, s12, $0xb8;
	[tilespmem:$0x18C00] =	vst v63  }
0xd5: {  	_ =	swait.ge [sflag:s14], $0x4000  }
0xd6: {  	[sflag:s14] =	ssyncset.done $0x0  }
0xd7: {  	s31 =	rddreg [dreg:$0x11];
	[sflag:s14] =	ssyncadd.s32 $0xFFFFC000  }
0xd8: {  	[spmem:s2] =	stream.indirect.scatter.add.f32 [tilespmem:s13], [sflag:$0x2], $0x80, s31, s12, $0xb8;
	[tilespmem:$0x18C00] =	vst v63  }
0xd9: {  	_ =	swait.ge [sflag:s10], $0x4000  }
0xda: {  	[sflag:s10] =	ssyncset.done $0x0  }
0xdb: {  	[sflag:s10] =	ssyncadd.s32 $0xFFFFC000  }
0xdc: {  	[tilespmem:s13], [sflag:$0x1] =	stream.indirect.gather [hbm4b:s28+s12], $0x80, s15, s12, $0xb8;
	[tilespmem:$0x18C00] =	vst v63  }
0xdd: {  	_ =	swait.ge [sflag:s14], $0x4000  }
0xde: {  	[sflag:s14] =	ssyncset.done $0x0  }
0xdf: {  	[sflag:s14] =	ssyncadd.s32 $0xFFFFC000  }
0xe0: {  	[spmem:s2] =	stream.indirect.scatter.add.f32 [tilespmem:s13], [sflag:$0x2], $0x80, s16, s12, $0xb8;
	[tilespmem:$0x18C00] =	vst v63  }
0xe1: {  	_ =	swait.ge [sflag:s10], $0x4000  }
0xe2: {  	[sflag:s10] =	ssyncset.done $0x0  }
0xe3: {  	[sflag:s10] =	ssyncadd.s32 $0xFFFFC000  }
0xe4: {  	[tilespmem:s13], [sflag:$0x1] =	stream.indirect.gather [hbm4b:s28+s12], $0x80, s17, s12, $0xb8;
	[tilespmem:$0x18C00] =	vst v63  }
0xe5: {  	_ =	swait.ge [sflag:s14], $0x4000  }
0xe6: {  	[sflag:s14] =	ssyncset.done $0x0  }
0xe7: {  	[sflag:s14] =	ssyncadd.s32 $0xFFFFC000  }
0xe8: {  	[spmem:s2] =	stream.indirect.scatter.add.f32 [tilespmem:s13], [sflag:$0x2], $0x80, s18, s12, $0xb8;
	[tilespmem:$0x18C00] =	vst v63  }
0xe9: {  	_ =	swait.ge [sflag:s10], $0x4000  }
0xea: {  	[sflag:s10] =	ssyncset.done $0x0  }
0xeb: {  	[sflag:s10] =	ssyncadd.s32 $0xFFFFC000  }
0xec: {  	[tilespmem:s13], [sflag:$0x1] =	stream.indirect.gather [hbm4b:s28+s12], $0x80, s19, s12, $0xb8;
	[tilespmem:$0x18C00] =	vst v63  }
0xed: {  	_ =	swait.ge [sflag:s14], $0x4000  }
0xee: {  	[sflag:s14] =	ssyncset.done $0x0  }
0xef: {  	[sflag:s14] =	ssyncadd.s32 $0xFFFFC000  }
0xf0: {  	[spmem:s2] =	stream.indirect.scatter.add.f32 [tilespmem:s13], [sflag:$0x2], $0x80, s20, s12, $0xb8;
	[tilespmem:$0x18C00] =	vst v63  }
0xf1: {  	_ =	swait.ge [sflag:s10], $0x4000  }
0xf2: {  	[sflag:s10] =	ssyncset.done $0x0  }
0xf3: {  	[sflag:s10] =	ssyncadd.s32 $0xFFFFC000  }
0xf4: {  	s26 =	sadd.s32 $0x800, s26;
	[bflag:$0x0] =	sbarrier.arrive $0xFFFF  }
0xf5: {  	s29 =	sadd.s32 $0x40000, s29;
	p1 =	sne.s32 s26, $0x4000;
	s31 =	rddreg [dreg:$0x7]  }
.Ltmp1:
0xf6: {  	s30 =	sadd.s32 s29, s31;
	(pc) =	sbr.rel @p1 .LBB2_4-.Ltmp1, $4  }
0xf7: {  	[hbm:s30], [sflag:s25] =	dma.local [spmem:s24], $0x2000  }
0xf8: {  	_ =	swait.ge [sflag:s10], $0x2000  }
0xf9: {  	[sflag:s10] =	ssyncset.done $0x0  }
0xfa: {  	s28 =	sadd.s32 $0x20000, s28;
	[sflag:s10] =	ssyncadd.s32 $0xFFFFE000  }
0xfb: {  	s21 =	sadd.s32 $0x1, s21  }
0xfc: {  	p1 =	sne.s32 s21, s8  }
.Ltmp2:
0xfd: {  	_ = 	snop;
	(pc) =	sbr.rel @p1 .LBB2_1-.Ltmp2, $2  }
0xfe: {  	_ =	sdelay $0x1  }
0xff: {  	[bflag:$0x0] =	sbarrier.arrive $0xFFFF;
	_ =	sdelay $0x1  }
0x100: {  	_ =	sfence.sel $0x180000  }
0x101: {  	[bflag:$0x0] =	sbarrier.arrive $0xFFFF  }
0x102: {  	p0 =	sne.s32 s4, $0x0;
	_ =	strace $0x90000047  }
0x103: {  	s0 =	sadd.s32 @!p0 $0x100000, s0;
	[bflag:$0x2] =	sbarrier.arrive $0xFFFF  }
0x104: {  	[sflag:s0] =	ssyncadd.tile.s32 @!p0 $0x1;
	_ =	shalt  }
.Lfunc_end2:
_tile_overlayer_lowered:
.L_overlay_start_2:
0x105: {  	(tag) =	ssettag $0x2  }
0x106: {  	s0 =	rddreg [dreg:$0x0];
	s2 =	stileid.u32  }
0x107: {  	s1 =	rddreg [dreg:$0x1];
	p0 =	sne.s32 s2, $0x0  }
0x108: {  	s3 =	rddreg [dreg:$0x2];
	[bflag:$0x3] =	sbarrier.arrive $0xFFFF;
	s2 =	simm.s32 @!p0 $0x1C02  }
0x109: {  	[timem:s3], [sflag:s2] =	dma.local @!p0 [hbm:s0], s1  }
0x10a: {  	s0 =	simm.s32 @!p0 $0x2  }
0x10b: {  	_ =	swait.ge @!p0 [sflag:s0], s1  }
0x10c: {  	s1 =	ssub.s32 @!p0 $0x0, s1;
	[sflag:s0] =	ssyncset.done @!p0 $0x0  }
0x10d: {  	[sflag:s0] =	ssyncadd.s32 @!p0 s1  }
0x10e: {  	[bflag:$0x3] =	sbarrier.arrive $0xFFFF  }
0x10f: {  	_ =	shalt  }

</sc_bundles>
